<compile_context>
chip_gen: v7x
topology: tpu7x:2x2x1
jax: 0.10.2.dev20260603
libtpu: 0.0.44.dev20260713+nightly
codegen_flags: <defaults>
</compile_context>

<pallas_src>
import jax
import jax.numpy as jnp
from jax import lax
from jax.experimental import pallas as pl
from jax.experimental.pallas import tpu as pltpu
from jax.experimental.pallas import tpu_sc as plsc

EMBED_DIM = 128
CHUNK = 128
NBUF = 5


def kernel(inputs, table):
    batch, seq_len, _ = inputs.shape
    num_idx = batch * seq_len
    num_chunks = num_idx // CHUNK

    mesh = plsc.VectorSubcoreMesh(core_axis_name="core",
                                  subcore_axis_name="subcore")
    num_workers = mesh.num_cores * mesh.num_subcores
    nch = num_chunks // num_workers
    idx3d = inputs.reshape(num_workers, nch, CHUNK)

    @pl.kernel(
        out_type=jax.ShapeDtypeStruct((num_idx, EMBED_DIM), table.dtype),
        mesh=mesh,
        scratch_types=[
            pltpu.VMEM((nch, CHUNK), jnp.int32),
            pltpu.VMEM((NBUF, CHUNK, EMBED_DIM), jnp.float32),
            pltpu.SemaphoreType.DMA((NBUF,)),
            pltpu.SemaphoreType.DMA((NBUF,)),
        ],
    )
    def gather_kernel(table_hbm, i_hbm, o_hbm, idx_v, buf_v, gsem, wsem):
        wid = lax.axis_index("subcore") * mesh.num_cores + lax.axis_index("core")
        c0 = wid * nch

        pltpu.sync_copy(i_hbm.at[wid], idx_v)

        def gather_start(cl, b):
            pltpu.async_copy(table_hbm.at[idx_v.at[cl]], buf_v.at[b],
                             gsem.at[b])

        def gather_wait(b):
            pltpu.make_async_copy(table_hbm.at[idx_v.at[0]], buf_v.at[b],
                                  gsem.at[b]).wait()

        def write_start(cl, b):
            pltpu.async_copy(buf_v.at[b],
                             o_hbm.at[pl.ds((c0 + cl) * CHUNK, CHUNK)],
                             wsem.at[b])

        def write_wait(b):
            pltpu.make_async_copy(buf_v.at[b],
                                  o_hbm.at[pl.ds(c0 * CHUNK, CHUNK)],
                                  wsem.at[b]).wait()

        for b in range(NBUF):
            gather_start(b, b)

        @pl.loop(0, nch - NBUF, step=NBUF)
        def _(j):
            for b in range(NBUF):
                gather_wait(b)
                write_start(j + b, b)
                write_wait(b)
                gather_start(j + b + NBUF, b)

        for b in range(NBUF):
            gather_wait(b)
            write_start(nch - NBUF + b, b)
            write_wait(b)

    out = gather_kernel(table, idx3d)
    return out.reshape(batch, seq_len, EMBED_DIM)

# --- scband reference (transcript-rebuilt; emitter-appended) ---
"""Pipeline reference for scband-sequence-encoder-23622320128135 (READ-ONLY COPY).

The authoritative reference and input builder live on the scoring server;
editing this copy changes nothing except your own understanding.
"""

import jax, jax.numpy as jnp
import numpy as np

VOCAB = 100000
EMBED_DIM = 128
BATCH = 1024
SEQ_LEN = 200


def setup_inputs(seed: int = 0) -> dict:
    key = jax.random.key(seed)
    k1, k2 = jax.random.split(key)
    # forward arg: token id sequence with a trailing singleton feature dim,
    # matching SequenceEncoder.call which squeezes axis=-1 for Embedding layers
    inputs = jax.random.randint(k1, (BATCH, SEQ_LEN, 1), 0, VOCAB, dtype=jnp.int32)
    # learned parameter: embedding table of the wrapped keras.layers.Embedding
    table = jax.random.normal(k2, (VOCAB, EMBED_DIM), dtype=jnp.float32) * 0.02
    return {"inputs": inputs, "table": table}


def reference(inputs, table):
    # SequenceEncoder.call: embedding_layer is keras.layers.Embedding,
    # so inputs are squeezed on the last axis then looked up in the table.
    idx = jnp.squeeze(inputs, axis=-1)            # [B, L]
    embedded_seq = jnp.take(table, idx, axis=0)   # [B, L, D] embedding gather
    # encode() is abstract; concrete subclass modeled as identity pass-through
    return embedded_seq

if __name__ == "__main__":
    import jax
    _d = setup_inputs()
    print(jax.jit(kernel)(*tuple(_d.values())))

</pallas_src>

<mosaic_0001>
#map = affine_map<(d0, d1) -> (0, 0)>
#map1 = affine_map<(d0, d1) -> (0, 0, 0)>
module attributes {stable_mosaic.version = 14 : i64} {
  func.func @gather_kernel(%arg0: i32, %arg1: i32, %arg2: memref<100000x128xf32, #tpu.memory_space<hbm>>, %arg3: memref<32x50x128xi32, #tpu.memory_space<hbm>>, %arg4: memref<204800x128xf32, #tpu.memory_space<hbm>>, %arg5: memref<50x128xi32, #tpu.memory_space<vmem>>, %arg6: memref<5x128x128xf32, #tpu.memory_space<vmem>>, %arg7: memref<5x!tpu.dma_semaphore, #tpu.memory_space<semaphore_mem>>, %arg8: memref<5x!tpu.dma_semaphore, #tpu.memory_space<semaphore_mem>>) attributes {dimension_semantics = [#tpu.dimension_semantics<core_parallel>, #tpu.dimension_semantics<subcore_parallel>], iteration_bounds = array<i64: 2, 16>, scalar_prefetch = 0 : i64, scratch_operands = 4 : i64, tpu.core_type = #tpu.core_type<sc_vector_subcore>, window_params = [{transform_indices = #map}, {transform_indices = #map1}, {transform_indices = #map}]} {
    %mul3A = arith.constant 2 : i32
    %mul3A_0 = arith.muli %arg1, %mul3A : i32
    %add3A = arith.addi %mul3A_0, %arg0 : i32
    %mul3A_1 = arith.constant 50 : i32
    %mul3A_2 = arith.muli %add3A, %mul3A_1 : i32
    "tpu.region"() ({
      %run_scoped3A = tpu.sem_alloc : memref<!tpu.dma_semaphore, #tpu.memory_space<semaphore_mem>>
      %dma_start3A_345 = arith.constant 0 : i32
      %dma_start3A_346 = arith.constant 0 : i32
      %dma_start3A_347 = tpu.memref_slice %arg3[%add3A, %dma_start3A_345, %dma_start3A_346] : memref<32x50x128xi32, #tpu.memory_space<hbm>> -> memref<1x50x128xi32, #tpu.memory_space<hbm>>
      %dma_start3A_348 = tpu.memref_squeeze %dma_start3A_347 : memref<1x50x128xi32, #tpu.memory_space<hbm>> -> memref<50x128xi32, #tpu.memory_space<hbm>>
      %dma_start3A_349 = arith.constant 0 : i32
      %dma_start3A_350 = arith.constant 0 : i32
      %dma_start3A_351 = tpu.memref_slice %arg3[%add3A, %dma_start3A_349, %dma_start3A_350] : memref<32x50x128xi32, #tpu.memory_space<hbm>> -> memref<1x50x128xi32, #tpu.memory_space<hbm>>
      %dma_start3A_352 = tpu.memref_squeeze %dma_start3A_351 : memref<1x50x128xi32, #tpu.memory_space<hbm>> -> memref<50x128xi32, #tpu.memory_space<hbm>>
      tpu.enqueue_dma source(%dma_start3A_352 : memref<50x128xi32, #tpu.memory_space<hbm>>) target(%arg5 : memref<50x128xi32, #tpu.memory_space<vmem>>) target_semaphore(%run_scoped3A : memref<!tpu.dma_semaphore, #tpu.memory_space<semaphore_mem>>)
      %dma_wait3A_353 = arith.constant 0 : i32
      %dma_wait3A_354 = arith.constant 0 : i32
      %dma_wait3A_355 = tpu.memref_slice %arg3[%add3A, %dma_wait3A_353, %dma_wait3A_354] : memref<32x50x128xi32, #tpu.memory_space<hbm>> -> memref<1x50x128xi32, #tpu.memory_space<hbm>>
      %dma_wait3A_356 = tpu.memref_squeeze %dma_wait3A_355 : memref<1x50x128xi32, #tpu.memory_space<hbm>> -> memref<50x128xi32, #tpu.memory_space<hbm>>
      %dma_wait3A_357 = arith.constant 0 : i32
      %dma_wait3A_358 = arith.constant 0 : i32
      %dma_wait3A_359 = tpu.memref_slice %arg3[%add3A, %dma_wait3A_357, %dma_wait3A_358] : memref<32x50x128xi32, #tpu.memory_space<hbm>> -> memref<1x50x128xi32, #tpu.memory_space<hbm>>
      %dma_wait3A_360 = tpu.memref_squeeze %dma_wait3A_359 : memref<1x50x128xi32, #tpu.memory_space<hbm>> -> memref<50x128xi32, #tpu.memory_space<hbm>>
      tpu.wait_dma2 semaphore(%run_scoped3A : memref<!tpu.dma_semaphore, #tpu.memory_space<semaphore_mem>>) src(%dma_wait3A_360 : memref<50x128xi32, #tpu.memory_space<hbm>>) dst(%arg5 : memref<50x128xi32, #tpu.memory_space<vmem>>)
      tpu.yield
    }) : () -> ()
    %dma_start3A = arith.constant 0 : i32
    %dma_start3A_3 = arith.constant 0 : i32
    %dma_start3A_4 = arith.constant 0 : i32
    %dma_start3A_5 = arith.constant 0 : i32
    %dma_start3A_6 = arith.constant 0 : i32
    %dma_start3A_7 = tpu.memref_slice %arg6[%dma_start3A_3, %dma_start3A_5, %dma_start3A_6] : memref<5x128x128xf32, #tpu.memory_space<vmem>> -> memref<1x128x128xf32, #tpu.memory_space<vmem>>
    %dma_start3A_8 = tpu.memref_squeeze %dma_start3A_7 : memref<1x128x128xf32, #tpu.memory_space<vmem>> -> memref<128x128xf32, #tpu.memory_space<vmem>>
    %dma_start3A_9 = arith.constant 0 : i32
    %dma_start3A_10 = tpu.memref_slice %arg5[%dma_start3A, %dma_start3A_9] : memref<50x128xi32, #tpu.memory_space<vmem>> -> memref<1x128xi32, #tpu.memory_space<vmem>>
    %dma_start3A_11 = tpu.memref_squeeze %dma_start3A_10 : memref<1x128xi32, #tpu.memory_space<vmem>> -> memref<128xi32, #tpu.memory_space<vmem>>
    %dma_start3A_12 = arith.constant 0 : i32
    %dma_start3A_13 = arith.constant 0 : i32
    %dma_start3A_14 = tpu.memref_slice %arg2[%dma_start3A_12, %dma_start3A_13] : memref<100000x128xf32, #tpu.memory_space<hbm>> -> memref<100000x128xf32, #tpu.memory_space<hbm>>
    %dma_start3A_15 = tpu.memref_slice %arg7[%dma_start3A_4] : memref<5x!tpu.dma_semaphore, #tpu.memory_space<semaphore_mem>> -> memref<1x!tpu.dma_semaphore, #tpu.memory_space<semaphore_mem>>
    %dma_start3A_16 = tpu.memref_squeeze %dma_start3A_15 : memref<1x!tpu.dma_semaphore, #tpu.memory_space<semaphore_mem>> -> memref<!tpu.dma_semaphore, #tpu.memory_space<semaphore_mem>>
    tpu.enqueue_indirect_dma source(%dma_start3A_14 : memref<100000x128xf32, #tpu.memory_space<hbm>>) target(%dma_start3A_8 : memref<128x128xf32, #tpu.memory_space<vmem>>) offsets(%dma_start3A_11 : memref<128xi32, #tpu.memory_space<vmem>>) semaphore(%dma_start3A_16 : memref<!tpu.dma_semaphore, #tpu.memory_space<semaphore_mem>>)
    %dma_start3A_17 = arith.constant 1 : i32
    %dma_start3A_18 = arith.constant 1 : i32
    %dma_start3A_19 = arith.constant 1 : i32
    %dma_start3A_20 = arith.constant 0 : i32
    %dma_start3A_21 = arith.constant 0 : i32
    %dma_start3A_22 = tpu.memref_slice %arg6[%dma_start3A_18, %dma_start3A_20, %dma_start3A_21] : memref<5x128x128xf32, #tpu.memory_space<vmem>> -> memref<1x128x128xf32, #tpu.memory_space<vmem>>
    %dma_start3A_23 = tpu.memref_squeeze %dma_start3A_22 : memref<1x128x128xf32, #tpu.memory_space<vmem>> -> memref<128x128xf32, #tpu.memory_space<vmem>>
    %dma_start3A_24 = arith.constant 0 : i32
    %dma_start3A_25 = tpu.memref_slice %arg5[%dma_start3A_17, %dma_start3A_24] : memref<50x128xi32, #tpu.memory_space<vmem>> -> memref<1x128xi32, #tpu.memory_space<vmem>>
    %dma_start3A_26 = tpu.memref_squeeze %dma_start3A_25 : memref<1x128xi32, #tpu.memory_space<vmem>> -> memref<128xi32, #tpu.memory_space<vmem>>
    %dma_start3A_27 = arith.constant 0 : i32
    %dma_start3A_28 = arith.constant 0 : i32
    %dma_start3A_29 = tpu.memref_slice %arg2[%dma_start3A_27, %dma_start3A_28] : memref<100000x128xf32, #tpu.memory_space<hbm>> -> memref<100000x128xf32, #tpu.memory_space<hbm>>
    %dma_start3A_30 = tpu.memref_slice %arg7[%dma_start3A_19] : memref<5x!tpu.dma_semaphore, #tpu.memory_space<semaphore_mem>> -> memref<1x!tpu.dma_semaphore, #tpu.memory_space<semaphore_mem>>
    %dma_start3A_31 = tpu.memref_squeeze %dma_start3A_30 : memref<1x!tpu.dma_semaphore, #tpu.memory_space<semaphore_mem>> -> memref<!tpu.dma_semaphore, #tpu.memory_space<semaphore_mem>>
    tpu.enqueue_indirect_dma source(%dma_start3A_29 : memref<100000x128xf32, #tpu.memory_space<hbm>>) target(%dma_start3A_23 : memref<128x128xf32, #tpu.memory_space<vmem>>) offsets(%dma_start3A_26 : memref<128xi32, #tpu.memory_space<vmem>>) semaphore(%dma_start3A_31 : memref<!tpu.dma_semaphore, #tpu.memory_space<semaphore_mem>>)
    %dma_start3A_32 = arith.constant 2 : i32
    %dma_start3A_33 = arith.constant 2 : i32
    %dma_start3A_34 = arith.constant 2 : i32
    %dma_start3A_35 = arith.constant 0 : i32
    %dma_start3A_36 = arith.constant 0 : i32
    %dma_start3A_37 = tpu.memref_slice %arg6[%dma_start3A_33, %dma_start3A_35, %dma_start3A_36] : memref<5x128x128xf32, #tpu.memory_space<vmem>> -> memref<1x128x128xf32, #tpu.memory_space<vmem>>
    %dma_start3A_38 = tpu.memref_squeeze %dma_start3A_37 : memref<1x128x128xf32, #tpu.memory_space<vmem>> -> memref<128x128xf32, #tpu.memory_space<vmem>>
    %dma_start3A_39 = arith.constant 0 : i32
    %dma_start3A_40 = tpu.memref_slice %arg5[%dma_start3A_32, %dma_start3A_39] : memref<50x128xi32, #tpu.memory_space<vmem>> -> memref<1x128xi32, #tpu.memory_space<vmem>>
    %dma_start3A_41 = tpu.memref_squeeze %dma_start3A_40 : memref<1x128xi32, #tpu.memory_space<vmem>> -> memref<128xi32, #tpu.memory_space<vmem>>
    %dma_start3A_42 = arith.constant 0 : i32
    %dma_start3A_43 = arith.constant 0 : i32
    %dma_start3A_44 = tpu.memref_slice %arg2[%dma_start3A_42, %dma_start3A_43] : memref<100000x128xf32, #tpu.memory_space<hbm>> -> memref<100000x128xf32, #tpu.memory_space<hbm>>
    %dma_start3A_45 = tpu.memref_slice %arg7[%dma_start3A_34] : memref<5x!tpu.dma_semaphore, #tpu.memory_space<semaphore_mem>> -> memref<1x!tpu.dma_semaphore, #tpu.memory_space<semaphore_mem>>
    %dma_start3A_46 = tpu.memref_squeeze %dma_start3A_45 : memref<1x!tpu.dma_semaphore, #tpu.memory_space<semaphore_mem>> -> memref<!tpu.dma_semaphore, #tpu.memory_space<semaphore_mem>>
    tpu.enqueue_indirect_dma source(%dma_start3A_44 : memref<100000x128xf32, #tpu.memory_space<hbm>>) target(%dma_start3A_38 : memref<128x128xf32, #tpu.memory_space<vmem>>) offsets(%dma_start3A_41 : memref<128xi32, #tpu.memory_space<vmem>>) semaphore(%dma_start3A_46 : memref<!tpu.dma_semaphore, #tpu.memory_space<semaphore_mem>>)
    %dma_start3A_47 = arith.constant 3 : i32
    %dma_start3A_48 = arith.constant 3 : i32
    %dma_start3A_49 = arith.constant 3 : i32
    %dma_start3A_50 = arith.constant 0 : i32
    %dma_start3A_51 = arith.constant 0 : i32
    %dma_start3A_52 = tpu.memref_slice %arg6[%dma_start3A_48, %dma_start3A_50, %dma_start3A_51] : memref<5x128x128xf32, #tpu.memory_space<vmem>> -> memref<1x128x128xf32, #tpu.memory_space<vmem>>
    %dma_start3A_53 = tpu.memref_squeeze %dma_start3A_52 : memref<1x128x128xf32, #tpu.memory_space<vmem>> -> memref<128x128xf32, #tpu.memory_space<vmem>>
    %dma_start3A_54 = arith.constant 0 : i32
    %dma_start3A_55 = tpu.memref_slice %arg5[%dma_start3A_47, %dma_start3A_54] : memref<50x128xi32, #tpu.memory_space<vmem>> -> memref<1x128xi32, #tpu.memory_space<vmem>>
    %dma_start3A_56 = tpu.memref_squeeze %dma_start3A_55 : memref<1x128xi32, #tpu.memory_space<vmem>> -> memref<128xi32, #tpu.memory_space<vmem>>
    %dma_start3A_57 = arith.constant 0 : i32
    %dma_start3A_58 = arith.constant 0 : i32
    %dma_start3A_59 = tpu.memref_slice %arg2[%dma_start3A_57, %dma_start3A_58] : memref<100000x128xf32, #tpu.memory_space<hbm>> -> memref<100000x128xf32, #tpu.memory_space<hbm>>
    %dma_start3A_60 = tpu.memref_slice %arg7[%dma_start3A_49] : memref<5x!tpu.dma_semaphore, #tpu.memory_space<semaphore_mem>> -> memref<1x!tpu.dma_semaphore, #tpu.memory_space<semaphore_mem>>
    %dma_start3A_61 = tpu.memref_squeeze %dma_start3A_60 : memref<1x!tpu.dma_semaphore, #tpu.memory_space<semaphore_mem>> -> memref<!tpu.dma_semaphore, #tpu.memory_space<semaphore_mem>>
    tpu.enqueue_indirect_dma source(%dma_start3A_59 : memref<100000x128xf32, #tpu.memory_space<hbm>>) target(%dma_start3A_53 : memref<128x128xf32, #tpu.memory_space<vmem>>) offsets(%dma_start3A_56 : memref<128xi32, #tpu.memory_space<vmem>>) semaphore(%dma_start3A_61 : memref<!tpu.dma_semaphore, #tpu.memory_space<semaphore_mem>>)
    %dma_start3A_62 = arith.constant 4 : i32
    %dma_start3A_63 = arith.constant 4 : i32
    %dma_start3A_64 = arith.constant 4 : i32
    %dma_start3A_65 = arith.constant 0 : i32
    %dma_start3A_66 = arith.constant 0 : i32
    %dma_start3A_67 = tpu.memref_slice %arg6[%dma_start3A_63, %dma_start3A_65, %dma_start3A_66] : memref<5x128x128xf32, #tpu.memory_space<vmem>> -> memref<1x128x128xf32, #tpu.memory_space<vmem>>
    %dma_start3A_68 = tpu.memref_squeeze %dma_start3A_67 : memref<1x128x128xf32, #tpu.memory_space<vmem>> -> memref<128x128xf32, #tpu.memory_space<vmem>>
    %dma_start3A_69 = arith.constant 0 : i32
    %dma_start3A_70 = tpu.memref_slice %arg5[%dma_start3A_62, %dma_start3A_69] : memref<50x128xi32, #tpu.memory_space<vmem>> -> memref<1x128xi32, #tpu.memory_space<vmem>>
    %dma_start3A_71 = tpu.memref_squeeze %dma_start3A_70 : memref<1x128xi32, #tpu.memory_space<vmem>> -> memref<128xi32, #tpu.memory_space<vmem>>
    %dma_start3A_72 = arith.constant 0 : i32
    %dma_start3A_73 = arith.constant 0 : i32
    %dma_start3A_74 = tpu.memref_slice %arg2[%dma_start3A_72, %dma_start3A_73] : memref<100000x128xf32, #tpu.memory_space<hbm>> -> memref<100000x128xf32, #tpu.memory_space<hbm>>
    %dma_start3A_75 = tpu.memref_slice %arg7[%dma_start3A_64] : memref<5x!tpu.dma_semaphore, #tpu.memory_space<semaphore_mem>> -> memref<1x!tpu.dma_semaphore, #tpu.memory_space<semaphore_mem>>
    %dma_start3A_76 = tpu.memref_squeeze %dma_start3A_75 : memref<1x!tpu.dma_semaphore, #tpu.memory_space<semaphore_mem>> -> memref<!tpu.dma_semaphore, #tpu.memory_space<semaphore_mem>>
    tpu.enqueue_indirect_dma source(%dma_start3A_74 : memref<100000x128xf32, #tpu.memory_space<hbm>>) target(%dma_start3A_68 : memref<128x128xf32, #tpu.memory_space<vmem>>) offsets(%dma_start3A_71 : memref<128xi32, #tpu.memory_space<vmem>>) semaphore(%dma_start3A_76 : memref<!tpu.dma_semaphore, #tpu.memory_space<semaphore_mem>>)
    %scan3A = arith.constant 0 : i32
    %scan3A_77 = arith.constant 9 : i32
    %scan3A_78 = arith.addi %scan3A, %scan3A_77 : i32
    %scan3A_79 = arith.constant 1 : i32
    scf.for %scan3A_345 = %scan3A to %scan3A_78 step %scan3A_79  : i32 {
      %mul3A_346 = arith.constant 5 : i32
      %mul3A_347 = arith.muli %scan3A_345, %mul3A_346 : i32
      %add3A_348 = arith.constant 0 : i32
      %add3A_349 = arith.addi %add3A_348, %mul3A_347 : i32
      %dma_wait3A_350 = arith.constant 0 : i32
      %dma_wait3A_351 = arith.constant 0 : i32
      %dma_wait3A_352 = arith.constant 0 : i32
      %dma_wait3A_353 = arith.constant 0 : i32
      %dma_wait3A_354 = arith.constant 0 : i32
      %dma_wait3A_355 = tpu.memref_slice %arg6[%dma_wait3A_351, %dma_wait3A_353, %dma_wait3A_354] : memref<5x128x128xf32, #tpu.memory_space<vmem>> -> memref<1x128x128xf32, #tpu.memory_space<vmem>>
      %dma_wait3A_356 = tpu.memref_squeeze %dma_wait3A_355 : memref<1x128x128xf32, #tpu.memory_space<vmem>> -> memref<128x128xf32, #tpu.memory_space<vmem>>
      %dma_wait3A_357 = arith.constant 0 : i32
      %dma_wait3A_358 = tpu.memref_slice %arg5[%dma_wait3A_350, %dma_wait3A_357] : memref<50x128xi32, #tpu.memory_space<vmem>> -> memref<1x128xi32, #tpu.memory_space<vmem>>
      %dma_wait3A_359 = tpu.memref_squeeze %dma_wait3A_358 : memref<1x128xi32, #tpu.memory_space<vmem>> -> memref<128xi32, #tpu.memory_space<vmem>>
      %dma_wait3A_360 = arith.constant 0 : i32
      %dma_wait3A_361 = arith.constant 0 : i32
      %dma_wait3A_362 = tpu.memref_slice %arg2[%dma_wait3A_360, %dma_wait3A_361] : memref<100000x128xf32, #tpu.memory_space<hbm>> -> memref<100000x128xf32, #tpu.memory_space<hbm>>
      %dma_wait3A_363 = tpu.memref_slice %arg7[%dma_wait3A_352] : memref<5x!tpu.dma_semaphore, #tpu.memory_space<semaphore_mem>> -> memref<1x!tpu.dma_semaphore, #tpu.memory_space<semaphore_mem>>
      %dma_wait3A_364 = tpu.memref_squeeze %dma_wait3A_363 : memref<1x!tpu.dma_semaphore, #tpu.memory_space<semaphore_mem>> -> memref<!tpu.dma_semaphore, #tpu.memory_space<semaphore_mem>>
      tpu.wait_indirect_dma semaphore(%dma_wait3A_364 : memref<!tpu.dma_semaphore, #tpu.memory_space<semaphore_mem>>) src(%dma_wait3A_362 : memref<100000x128xf32, #tpu.memory_space<hbm>>) dst(%dma_wait3A_356 : memref<128x128xf32, #tpu.memory_space<vmem>>)
      %add3A_365 = arith.constant 0 : i32
      %add3A_366 = arith.addi %add3A_349, %add3A_365 : i32
      %add3A_367 = arith.addi %mul3A_2, %add3A_366 : i32
      %mul3A_368 = arith.constant 128 : i32
      %mul3A_369 = arith.muli %add3A_367, %mul3A_368 : i32
      %dma_start3A_370 = arith.constant 0 : i32
      %dma_start3A_371 = arith.constant 0 : i32
      %dma_start3A_372 = arith.constant 0 : i32
      %dma_start3A_373 = arith.constant 0 : i32
      %dma_start3A_374 = tpu.memref_slice %arg6[%dma_start3A_370, %dma_start3A_372, %dma_start3A_373] : memref<5x128x128xf32, #tpu.memory_space<vmem>> -> memref<1x128x128xf32, #tpu.memory_space<vmem>>
      %dma_start3A_375 = tpu.memref_squeeze %dma_start3A_374 : memref<1x128x128xf32, #tpu.memory_space<vmem>> -> memref<128x128xf32, #tpu.memory_space<vmem>>
      %dma_start3A_376 = arith.constant 0 : i32
      %dma_start3A_377 = tpu.memref_slice %arg4[%mul3A_369, %dma_start3A_376] : memref<204800x128xf32, #tpu.memory_space<hbm>> -> memref<128x128xf32, #tpu.memory_space<hbm>>
      %dma_start3A_378 = tpu.memref_slice %arg8[%dma_start3A_371] : memref<5x!tpu.dma_semaphore, #tpu.memory_space<semaphore_mem>> -> memref<1x!tpu.dma_semaphore, #tpu.memory_space<semaphore_mem>>
      %dma_start3A_379 = tpu.memref_squeeze %dma_start3A_378 : memref<1x!tpu.dma_semaphore, #tpu.memory_space<semaphore_mem>> -> memref<!tpu.dma_semaphore, #tpu.memory_space<semaphore_mem>>
      %dma_start3A_380 = arith.constant 0 : i32
      %dma_start3A_381 = tpu.memref_slice %arg4[%mul3A_369, %dma_start3A_380] : memref<204800x128xf32, #tpu.memory_space<hbm>> -> memref<128x128xf32, #tpu.memory_space<hbm>>
      %dma_start3A_382 = arith.constant 0 : i32
      %dma_start3A_383 = arith.constant 0 : i32
      %dma_start3A_384 = tpu.memref_slice %arg6[%dma_start3A_370, %dma_start3A_382, %dma_start3A_383] : memref<5x128x128xf32, #tpu.memory_space<vmem>> -> memref<1x128x128xf32, #tpu.memory_space<vmem>>
      %dma_start3A_385 = tpu.memref_squeeze %dma_start3A_384 : memref<1x128x128xf32, #tpu.memory_space<vmem>> -> memref<128x128xf32, #tpu.memory_space<vmem>>
      tpu.enqueue_dma source(%dma_start3A_385 : memref<128x128xf32, #tpu.memory_space<vmem>>) target(%dma_start3A_381 : memref<128x128xf32, #tpu.memory_space<hbm>>) target_semaphore(%dma_start3A_379 : memref<!tpu.dma_semaphore, #tpu.memory_space<semaphore_mem>>)
      %mul3A_386 = arith.constant 128 : i32
      %mul3A_387 = arith.muli %mul3A_2, %mul3A_386 : i32
      %dma_wait3A_388 = arith.constant 0 : i32
      %dma_wait3A_389 = arith.constant 0 : i32
      %dma_wait3A_390 = arith.constant 0 : i32
      %dma_wait3A_391 = arith.constant 0 : i32
      %dma_wait3A_392 = tpu.memref_slice %arg6[%dma_wait3A_388, %dma_wait3A_390, %dma_wait3A_391] : memref<5x128x128xf32, #tpu.memory_space<vmem>> -> memref<1x128x128xf32, #tpu.memory_space<vmem>>
      %dma_wait3A_393 = tpu.memref_squeeze %dma_wait3A_392 : memref<1x128x128xf32, #tpu.memory_space<vmem>> -> memref<128x128xf32, #tpu.memory_space<vmem>>
      %dma_wait3A_394 = arith.constant 0 : i32
      %dma_wait3A_395 = tpu.memref_slice %arg4[%mul3A_387, %dma_wait3A_394] : memref<204800x128xf32, #tpu.memory_space<hbm>> -> memref<128x128xf32, #tpu.memory_space<hbm>>
      %dma_wait3A_396 = tpu.memref_slice %arg8[%dma_wait3A_389] : memref<5x!tpu.dma_semaphore, #tpu.memory_space<semaphore_mem>> -> memref<1x!tpu.dma_semaphore, #tpu.memory_space<semaphore_mem>>
      %dma_wait3A_397 = tpu.memref_squeeze %dma_wait3A_396 : memref<1x!tpu.dma_semaphore, #tpu.memory_space<semaphore_mem>> -> memref<!tpu.dma_semaphore, #tpu.memory_space<semaphore_mem>>
      %dma_wait3A_398 = arith.constant 0 : i32
      %dma_wait3A_399 = tpu.memref_slice %arg4[%mul3A_387, %dma_wait3A_398] : memref<204800x128xf32, #tpu.memory_space<hbm>> -> memref<128x128xf32, #tpu.memory_space<hbm>>
      %dma_wait3A_400 = arith.constant 0 : i32
      %dma_wait3A_401 = arith.constant 0 : i32
      %dma_wait3A_402 = tpu.memref_slice %arg6[%dma_wait3A_388, %dma_wait3A_400, %dma_wait3A_401] : memref<5x128x128xf32, #tpu.memory_space<vmem>> -> memref<1x128x128xf32, #tpu.memory_space<vmem>>
      %dma_wait3A_403 = tpu.memref_squeeze %dma_wait3A_402 : memref<1x128x128xf32, #tpu.memory_space<vmem>> -> memref<128x128xf32, #tpu.memory_space<vmem>>
      tpu.wait_dma2 semaphore(%dma_wait3A_397 : memref<!tpu.dma_semaphore, #tpu.memory_space<semaphore_mem>>) src(%dma_wait3A_403 : memref<128x128xf32, #tpu.memory_space<vmem>>) dst(%dma_wait3A_399 : memref<128x128xf32, #tpu.memory_space<hbm>>)
      %add3A_404 = arith.constant 0 : i32
      %add3A_405 = arith.addi %add3A_349, %add3A_404 : i32
      %add3A_406 = arith.constant 5 : i32
      %add3A_407 = arith.addi %add3A_405, %add3A_406 : i32
      %dma_start3A_408 = arith.constant 0 : i32
      %dma_start3A_409 = arith.constant 0 : i32
      %dma_start3A_410 = arith.constant 0 : i32
      %dma_start3A_411 = arith.constant 0 : i32
      %dma_start3A_412 = tpu.memref_slice %arg6[%dma_start3A_408, %dma_start3A_410, %dma_start3A_411] : memref<5x128x128xf32, #tpu.memory_space<vmem>> -> memref<1x128x128xf32, #tpu.memory_space<vmem>>
      %dma_start3A_413 = tpu.memref_squeeze %dma_start3A_412 : memref<1x128x128xf32, #tpu.memory_space<vmem>> -> memref<128x128xf32, #tpu.memory_space<vmem>>
      %dma_start3A_414 = arith.constant 0 : i32
      %dma_start3A_415 = tpu.memref_slice %arg5[%add3A_407, %dma_start3A_414] : memref<50x128xi32, #tpu.memory_space<vmem>> -> memref<1x128xi32, #tpu.memory_space<vmem>>
      %dma_start3A_416 = tpu.memref_squeeze %dma_start3A_415 : memref<1x128xi32, #tpu.memory_space<vmem>> -> memref<128xi32, #tpu.memory_space<vmem>>
      %dma_start3A_417 = arith.constant 0 : i32
      %dma_start3A_418 = arith.constant 0 : i32
      %dma_start3A_419 = tpu.memref_slice %arg2[%dma_start3A_417, %dma_start3A_418] : memref<100000x128xf32, #tpu.memory_space<hbm>> -> memref<100000x128xf32, #tpu.memory_space<hbm>>
      %dma_start3A_420 = tpu.memref_slice %arg7[%dma_start3A_409] : memref<5x!tpu.dma_semaphore, #tpu.memory_space<semaphore_mem>> -> memref<1x!tpu.dma_semaphore, #tpu.memory_space<semaphore_mem>>
      %dma_start3A_421 = tpu.memref_squeeze %dma_start3A_420 : memref<1x!tpu.dma_semaphore, #tpu.memory_space<semaphore_mem>> -> memref<!tpu.dma_semaphore, #tpu.memory_space<semaphore_mem>>
      tpu.enqueue_indirect_dma source(%dma_start3A_419 : memref<100000x128xf32, #tpu.memory_space<hbm>>) target(%dma_start3A_413 : memref<128x128xf32, #tpu.memory_space<vmem>>) offsets(%dma_start3A_416 : memref<128xi32, #tpu.memory_space<vmem>>) semaphore(%dma_start3A_421 : memref<!tpu.dma_semaphore, #tpu.memory_space<semaphore_mem>>)
      %dma_wait3A_422 = arith.constant 0 : i32
      %dma_wait3A_423 = arith.constant 1 : i32
      %dma_wait3A_424 = arith.constant 1 : i32
      %dma_wait3A_425 = arith.constant 0 : i32
      %dma_wait3A_426 = arith.constant 0 : i32
      %dma_wait3A_427 = tpu.memref_slice %arg6[%dma_wait3A_423, %dma_wait3A_425, %dma_wait3A_426] : memref<5x128x128xf32, #tpu.memory_space<vmem>> -> memref<1x128x128xf32, #tpu.memory_space<vmem>>
      %dma_wait3A_428 = tpu.memref_squeeze %dma_wait3A_427 : memref<1x128x128xf32, #tpu.memory_space<vmem>> -> memref<128x128xf32, #tpu.memory_space<vmem>>
      %dma_wait3A_429 = arith.constant 0 : i32
      %dma_wait3A_430 = tpu.memref_slice %arg5[%dma_wait3A_422, %dma_wait3A_429] : memref<50x128xi32, #tpu.memory_space<vmem>> -> memref<1x128xi32, #tpu.memory_space<vmem>>
      %dma_wait3A_431 = tpu.memref_squeeze %dma_wait3A_430 : memref<1x128xi32, #tpu.memory_space<vmem>> -> memref<128xi32, #tpu.memory_space<vmem>>
      %dma_wait3A_432 = arith.constant 0 : i32
      %dma_wait3A_433 = arith.constant 0 : i32
      %dma_wait3A_434 = tpu.memref_slice %arg2[%dma_wait3A_432, %dma_wait3A_433] : memref<100000x128xf32, #tpu.memory_space<hbm>> -> memref<100000x128xf32, #tpu.memory_space<hbm>>
      %dma_wait3A_435 = tpu.memref_slice %arg7[%dma_wait3A_424] : memref<5x!tpu.dma_semaphore, #tpu.memory_space<semaphore_mem>> -> memref<1x!tpu.dma_semaphore, #tpu.memory_space<semaphore_mem>>
      %dma_wait3A_436 = tpu.memref_squeeze %dma_wait3A_435 : memref<1x!tpu.dma_semaphore, #tpu.memory_space<semaphore_mem>> -> memref<!tpu.dma_semaphore, #tpu.memory_space<semaphore_mem>>
      tpu.wait_indirect_dma semaphore(%dma_wait3A_436 : memref<!tpu.dma_semaphore, #tpu.memory_space<semaphore_mem>>) src(%dma_wait3A_434 : memref<100000x128xf32, #tpu.memory_space<hbm>>) dst(%dma_wait3A_428 : memref<128x128xf32, #tpu.memory_space<vmem>>)
      %add3A_437 = arith.constant 1 : i32
      %add3A_438 = arith.addi %add3A_349, %add3A_437 : i32
      %add3A_439 = arith.addi %mul3A_2, %add3A_438 : i32
      %mul3A_440 = arith.constant 128 : i32
      %mul3A_441 = arith.muli %add3A_439, %mul3A_440 : i32
      %dma_start3A_442 = arith.constant 1 : i32
      %dma_start3A_443 = arith.constant 1 : i32
      %dma_start3A_444 = arith.constant 0 : i32
      %dma_start3A_445 = arith.constant 0 : i32
      %dma_start3A_446 = tpu.memref_slice %arg6[%dma_start3A_442, %dma_start3A_444, %dma_start3A_445] : memref<5x128x128xf32, #tpu.memory_space<vmem>> -> memref<1x128x128xf32, #tpu.memory_space<vmem>>
      %dma_start3A_447 = tpu.memref_squeeze %dma_start3A_446 : memref<1x128x128xf32, #tpu.memory_space<vmem>> -> memref<128x128xf32, #tpu.memory_space<vmem>>
      %dma_start3A_448 = arith.constant 0 : i32
      %dma_start3A_449 = tpu.memref_slice %arg4[%mul3A_441, %dma_start3A_448] : memref<204800x128xf32, #tpu.memory_space<hbm>> -> memref<128x128xf32, #tpu.memory_space<hbm>>
      %dma_start3A_450 = tpu.memref_slice %arg8[%dma_start3A_443] : memref<5x!tpu.dma_semaphore, #tpu.memory_space<semaphore_mem>> -> memref<1x!tpu.dma_semaphore, #tpu.memory_space<semaphore_mem>>
      %dma_start3A_451 = tpu.memref_squeeze %dma_start3A_450 : memref<1x!tpu.dma_semaphore, #tpu.memory_space<semaphore_mem>> -> memref<!tpu.dma_semaphore, #tpu.memory_space<semaphore_mem>>
      %dma_start3A_452 = arith.constant 0 : i32
      %dma_start3A_453 = tpu.memref_slice %arg4[%mul3A_441, %dma_start3A_452] : memref<204800x128xf32, #tpu.memory_space<hbm>> -> memref<128x128xf32, #tpu.memory_space<hbm>>
      %dma_start3A_454 = arith.constant 0 : i32
      %dma_start3A_455 = arith.constant 0 : i32
      %dma_start3A_456 = tpu.memref_slice %arg6[%dma_start3A_442, %dma_start3A_454, %dma_start3A_455] : memref<5x128x128xf32, #tpu.memory_space<vmem>> -> memref<1x128x128xf32, #tpu.memory_space<vmem>>
      %dma_start3A_457 = tpu.memref_squeeze %dma_start3A_456 : memref<1x128x128xf32, #tpu.memory_space<vmem>> -> memref<128x128xf32, #tpu.memory_space<vmem>>
      tpu.enqueue_dma source(%dma_start3A_457 : memref<128x128xf32, #tpu.memory_space<vmem>>) target(%dma_start3A_453 : memref<128x128xf32, #tpu.memory_space<hbm>>) target_semaphore(%dma_start3A_451 : memref<!tpu.dma_semaphore, #tpu.memory_space<semaphore_mem>>)
      %mul3A_458 = arith.constant 128 : i32
      %mul3A_459 = arith.muli %mul3A_2, %mul3A_458 : i32
      %dma_wait3A_460 = arith.constant 1 : i32
      %dma_wait3A_461 = arith.constant 1 : i32
      %dma_wait3A_462 = arith.constant 0 : i32
      %dma_wait3A_463 = arith.constant 0 : i32
      %dma_wait3A_464 = tpu.memref_slice %arg6[%dma_wait3A_460, %dma_wait3A_462, %dma_wait3A_463] : memref<5x128x128xf32, #tpu.memory_space<vmem>> -> memref<1x128x128xf32, #tpu.memory_space<vmem>>
      %dma_wait3A_465 = tpu.memref_squeeze %dma_wait3A_464 : memref<1x128x128xf32, #tpu.memory_space<vmem>> -> memref<128x128xf32, #tpu.memory_space<vmem>>
      %dma_wait3A_466 = arith.constant 0 : i32
      %dma_wait3A_467 = tpu.memref_slice %arg4[%mul3A_459, %dma_wait3A_466] : memref<204800x128xf32, #tpu.memory_space<hbm>> -> memref<128x128xf32, #tpu.memory_space<hbm>>
      %dma_wait3A_468 = tpu.memref_slice %arg8[%dma_wait3A_461] : memref<5x!tpu.dma_semaphore, #tpu.memory_space<semaphore_mem>> -> memref<1x!tpu.dma_semaphore, #tpu.memory_space<semaphore_mem>>
      %dma_wait3A_469 = tpu.memref_squeeze %dma_wait3A_468 : memref<1x!tpu.dma_semaphore, #tpu.memory_space<semaphore_mem>> -> memref<!tpu.dma_semaphore, #tpu.memory_space<semaphore_mem>>
      %dma_wait3A_470 = arith.constant 0 : i32
      %dma_wait3A_471 = tpu.memref_slice %arg4[%mul3A_459, %dma_wait3A_470] : memref<204800x128xf32, #tpu.memory_space<hbm>> -> memref<128x128xf32, #tpu.memory_space<hbm>>
      %dma_wait3A_472 = arith.constant 0 : i32
      %dma_wait3A_473 = arith.constant 0 : i32
      %dma_wait3A_474 = tpu.memref_slice %arg6[%dma_wait3A_460, %dma_wait3A_472, %dma_wait3A_473] : memref<5x128x128xf32, #tpu.memory_space<vmem>> -> memref<1x128x128xf32, #tpu.memory_space<vmem>>
      %dma_wait3A_475 = tpu.memref_squeeze %dma_wait3A_474 : memref<1x128x128xf32, #tpu.memory_space<vmem>> -> memref<128x128xf32, #tpu.memory_space<vmem>>
      tpu.wait_dma2 semaphore(%dma_wait3A_469 : memref<!tpu.dma_semaphore, #tpu.memory_space<semaphore_mem>>) src(%dma_wait3A_475 : memref<128x128xf32, #tpu.memory_space<vmem>>) dst(%dma_wait3A_471 : memref<128x128xf32, #tpu.memory_space<hbm>>)
      %add3A_476 = arith.constant 1 : i32
      %add3A_477 = arith.addi %add3A_349, %add3A_476 : i32
      %add3A_478 = arith.constant 5 : i32
      %add3A_479 = arith.addi %add3A_477, %add3A_478 : i32
      %dma_start3A_480 = arith.constant 1 : i32
      %dma_start3A_481 = arith.constant 1 : i32
      %dma_start3A_482 = arith.constant 0 : i32
      %dma_start3A_483 = arith.constant 0 : i32
      %dma_start3A_484 = tpu.memref_slice %arg6[%dma_start3A_480, %dma_start3A_482, %dma_start3A_483] : memref<5x128x128xf32, #tpu.memory_space<vmem>> -> memref<1x128x128xf32, #tpu.memory_space<vmem>>
      %dma_start3A_485 = tpu.memref_squeeze %dma_start3A_484 : memref<1x128x128xf32, #tpu.memory_space<vmem>> -> memref<128x128xf32, #tpu.memory_space<vmem>>
      %dma_start3A_486 = arith.constant 0 : i32
      %dma_start3A_487 = tpu.memref_slice %arg5[%add3A_479, %dma_start3A_486] : memref<50x128xi32, #tpu.memory_space<vmem>> -> memref<1x128xi32, #tpu.memory_space<vmem>>
      %dma_start3A_488 = tpu.memref_squeeze %dma_start3A_487 : memref<1x128xi32, #tpu.memory_space<vmem>> -> memref<128xi32, #tpu.memory_space<vmem>>
      %dma_start3A_489 = arith.constant 0 : i32
      %dma_start3A_490 = arith.constant 0 : i32
      %dma_start3A_491 = tpu.memref_slice %arg2[%dma_start3A_489, %dma_start3A_490] : memref<100000x128xf32, #tpu.memory_space<hbm>> -> memref<100000x128xf32, #tpu.memory_space<hbm>>
      %dma_start3A_492 = tpu.memref_slice %arg7[%dma_start3A_481] : memref<5x!tpu.dma_semaphore, #tpu.memory_space<semaphore_mem>> -> memref<1x!tpu.dma_semaphore, #tpu.memory_space<semaphore_mem>>
      %dma_start3A_493 = tpu.memref_squeeze %dma_start3A_492 : memref<1x!tpu.dma_semaphore, #tpu.memory_space<semaphore_mem>> -> memref<!tpu.dma_semaphore, #tpu.memory_space<semaphore_mem>>
      tpu.enqueue_indirect_dma source(%dma_start3A_491 : memref<100000x128xf32, #tpu.memory_space<hbm>>) target(%dma_start3A_485 : memref<128x128xf32, #tpu.memory_space<vmem>>) offsets(%dma_start3A_488 : memref<128xi32, #tpu.memory_space<vmem>>) semaphore(%dma_start3A_493 : memref<!tpu.dma_semaphore, #tpu.memory_space<semaphore_mem>>)
      %dma_wait3A_494 = arith.constant 0 : i32
      %dma_wait3A_495 = arith.constant 2 : i32
      %dma_wait3A_496 = arith.constant 2 : i32
      %dma_wait3A_497 = arith.constant 0 : i32
      %dma_wait3A_498 = arith.constant 0 : i32
      %dma_wait3A_499 = tpu.memref_slice %arg6[%dma_wait3A_495, %dma_wait3A_497, %dma_wait3A_498] : memref<5x128x128xf32, #tpu.memory_space<vmem>> -> memref<1x128x128xf32, #tpu.memory_space<vmem>>
      %dma_wait3A_500 = tpu.memref_squeeze %dma_wait3A_499 : memref<1x128x128xf32, #tpu.memory_space<vmem>> -> memref<128x128xf32, #tpu.memory_space<vmem>>
      %dma_wait3A_501 = arith.constant 0 : i32
      %dma_wait3A_502 = tpu.memref_slice %arg5[%dma_wait3A_494, %dma_wait3A_501] : memref<50x128xi32, #tpu.memory_space<vmem>> -> memref<1x128xi32, #tpu.memory_space<vmem>>
      %dma_wait3A_503 = tpu.memref_squeeze %dma_wait3A_502 : memref<1x128xi32, #tpu.memory_space<vmem>> -> memref<128xi32, #tpu.memory_space<vmem>>
      %dma_wait3A_504 = arith.constant 0 : i32
      %dma_wait3A_505 = arith.constant 0 : i32
      %dma_wait3A_506 = tpu.memref_slice %arg2[%dma_wait3A_504, %dma_wait3A_505] : memref<100000x128xf32, #tpu.memory_space<hbm>> -> memref<100000x128xf32, #tpu.memory_space<hbm>>
      %dma_wait3A_507 = tpu.memref_slice %arg7[%dma_wait3A_496] : memref<5x!tpu.dma_semaphore, #tpu.memory_space<semaphore_mem>> -> memref<1x!tpu.dma_semaphore, #tpu.memory_space<semaphore_mem>>
      %dma_wait3A_508 = tpu.memref_squeeze %dma_wait3A_507 : memref<1x!tpu.dma_semaphore, #tpu.memory_space<semaphore_mem>> -> memref<!tpu.dma_semaphore, #tpu.memory_space<semaphore_mem>>
      tpu.wait_indirect_dma semaphore(%dma_wait3A_508 : memref<!tpu.dma_semaphore, #tpu.memory_space<semaphore_mem>>) src(%dma_wait3A_506 : memref<100000x128xf32, #tpu.memory_space<hbm>>) dst(%dma_wait3A_500 : memref<128x128xf32, #tpu.memory_space<vmem>>)
      %add3A_509 = arith.constant 2 : i32
      %add3A_510 = arith.addi %add3A_349, %add3A_509 : i32
      %add3A_511 = arith.addi %mul3A_2, %add3A_510 : i32
      %mul3A_512 = arith.constant 128 : i32
      %mul3A_513 = arith.muli %add3A_511, %mul3A_512 : i32
      %dma_start3A_514 = arith.constant 2 : i32
      %dma_start3A_515 = arith.constant 2 : i32
      %dma_start3A_516 = arith.constant 0 : i32
      %dma_start3A_517 = arith.constant 0 : i32
      %dma_start3A_518 = tpu.memref_slice %arg6[%dma_start3A_514, %dma_start3A_516, %dma_start3A_517] : memref<5x128x128xf32, #tpu.memory_space<vmem>> -> memref<1x128x128xf32, #tpu.memory_space<vmem>>
      %dma_start3A_519 = tpu.memref_squeeze %dma_start3A_518 : memref<1x128x128xf32, #tpu.memory_space<vmem>> -> memref<128x128xf32, #tpu.memory_space<vmem>>
      %dma_start3A_520 = arith.constant 0 : i32
      %dma_start3A_521 = tpu.memref_slice %arg4[%mul3A_513, %dma_start3A_520] : memref<204800x128xf32, #tpu.memory_space<hbm>> -> memref<128x128xf32, #tpu.memory_space<hbm>>
      %dma_start3A_522 = tpu.memref_slice %arg8[%dma_start3A_515] : memref<5x!tpu.dma_semaphore, #tpu.memory_space<semaphore_mem>> -> memref<1x!tpu.dma_semaphore, #tpu.memory_space<semaphore_mem>>
      %dma_start3A_523 = tpu.memref_squeeze %dma_start3A_522 : memref<1x!tpu.dma_semaphore, #tpu.memory_space<semaphore_mem>> -> memref<!tpu.dma_semaphore, #tpu.memory_space<semaphore_mem>>
      %dma_start3A_524 = arith.constant 0 : i32
      %dma_start3A_525 = tpu.memref_slice %arg4[%mul3A_513, %dma_start3A_524] : memref<204800x128xf32, #tpu.memory_space<hbm>> -> memref<128x128xf32, #tpu.memory_space<hbm>>
      %dma_start3A_526 = arith.constant 0 : i32
      %dma_start3A_527 = arith.constant 0 : i32
      %dma_start3A_528 = tpu.memref_slice %arg6[%dma_start3A_514, %dma_start3A_526, %dma_start3A_527] : memref<5x128x128xf32, #tpu.memory_space<vmem>> -> memref<1x128x128xf32, #tpu.memory_space<vmem>>
      %dma_start3A_529 = tpu.memref_squeeze %dma_start3A_528 : memref<1x128x128xf32, #tpu.memory_space<vmem>> -> memref<128x128xf32, #tpu.memory_space<vmem>>
      tpu.enqueue_dma source(%dma_start3A_529 : memref<128x128xf32, #tpu.memory_space<vmem>>) target(%dma_start3A_525 : memref<128x128xf32, #tpu.memory_space<hbm>>) target_semaphore(%dma_start3A_523 : memref<!tpu.dma_semaphore, #tpu.memory_space<semaphore_mem>>)
      %mul3A_530 = arith.constant 128 : i32
      %mul3A_531 = arith.muli %mul3A_2, %mul3A_530 : i32
      %dma_wait3A_532 = arith.constant 2 : i32
      %dma_wait3A_533 = arith.constant 2 : i32
      %dma_wait3A_534 = arith.constant 0 : i32
      %dma_wait3A_535 = arith.constant 0 : i32
      %dma_wait3A_536 = tpu.memref_slice %arg6[%dma_wait3A_532, %dma_wait3A_534, %dma_wait3A_535] : memref<5x128x128xf32, #tpu.memory_space<vmem>> -> memref<1x128x128xf32, #tpu.memory_space<vmem>>
      %dma_wait3A_537 = tpu.memref_squeeze %dma_wait3A_536 : memref<1x128x128xf32, #tpu.memory_space<vmem>> -> memref<128x128xf32, #tpu.memory_space<vmem>>
      %dma_wait3A_538 = arith.constant 0 : i32
      %dma_wait3A_539 = tpu.memref_slice %arg4[%mul3A_531, %dma_wait3A_538] : memref<204800x128xf32, #tpu.memory_space<hbm>> -> memref<128x128xf32, #tpu.memory_space<hbm>>
      %dma_wait3A_540 = tpu.memref_slice %arg8[%dma_wait3A_533] : memref<5x!tpu.dma_semaphore, #tpu.memory_space<semaphore_mem>> -> memref<1x!tpu.dma_semaphore, #tpu.memory_space<semaphore_mem>>
      %dma_wait3A_541 = tpu.memref_squeeze %dma_wait3A_540 : memref<1x!tpu.dma_semaphore, #tpu.memory_space<semaphore_mem>> -> memref<!tpu.dma_semaphore, #tpu.memory_space<semaphore_mem>>
      %dma_wait3A_542 = arith.constant 0 : i32
      %dma_wait3A_543 = tpu.memref_slice %arg4[%mul3A_531, %dma_wait3A_542] : memref<204800x128xf32, #tpu.memory_space<hbm>> -> memref<128x128xf32, #tpu.memory_space<hbm>>
      %dma_wait3A_544 = arith.constant 0 : i32
      %dma_wait3A_545 = arith.constant 0 : i32
      %dma_wait3A_546 = tpu.memref_slice %arg6[%dma_wait3A_532, %dma_wait3A_544, %dma_wait3A_545] : memref<5x128x128xf32, #tpu.memory_space<vmem>> -> memref<1x128x128xf32, #tpu.memory_space<vmem>>
      %dma_wait3A_547 = tpu.memref_squeeze %dma_wait3A_546 : memref<1x128x128xf32, #tpu.memory_space<vmem>> -> memref<128x128xf32, #tpu.memory_space<vmem>>
      tpu.wait_dma2 semaphore(%dma_wait3A_541 : memref<!tpu.dma_semaphore, #tpu.memory_space<semaphore_mem>>) src(%dma_wait3A_547 : memref<128x128xf32, #tpu.memory_space<vmem>>) dst(%dma_wait3A_543 : memref<128x128xf32, #tpu.memory_space<hbm>>)
      %add3A_548 = arith.constant 2 : i32
      %add3A_549 = arith.addi %add3A_349, %add3A_548 : i32
      %add3A_550 = arith.constant 5 : i32
      %add3A_551 = arith.addi %add3A_549, %add3A_550 : i32
      %dma_start3A_552 = arith.constant 2 : i32
      %dma_start3A_553 = arith.constant 2 : i32
      %dma_start3A_554 = arith.constant 0 : i32
      %dma_start3A_555 = arith.constant 0 : i32
      %dma_start3A_556 = tpu.memref_slice %arg6[%dma_start3A_552, %dma_start3A_554, %dma_start3A_555] : memref<5x128x128xf32, #tpu.memory_space<vmem>> -> memref<1x128x128xf32, #tpu.memory_space<vmem>>
      %dma_start3A_557 = tpu.memref_squeeze %dma_start3A_556 : memref<1x128x128xf32, #tpu.memory_space<vmem>> -> memref<128x128xf32, #tpu.memory_space<vmem>>
      %dma_start3A_558 = arith.constant 0 : i32
      %dma_start3A_559 = tpu.memref_slice %arg5[%add3A_551, %dma_start3A_558] : memref<50x128xi32, #tpu.memory_space<vmem>> -> memref<1x128xi32, #tpu.memory_space<vmem>>
      %dma_start3A_560 = tpu.memref_squeeze %dma_start3A_559 : memref<1x128xi32, #tpu.memory_space<vmem>> -> memref<128xi32, #tpu.memory_space<vmem>>
      %dma_start3A_561 = arith.constant 0 : i32
      %dma_start3A_562 = arith.constant 0 : i32
      %dma_start3A_563 = tpu.memref_slice %arg2[%dma_start3A_561, %dma_start3A_562] : memref<100000x128xf32, #tpu.memory_space<hbm>> -> memref<100000x128xf32, #tpu.memory_space<hbm>>
      %dma_start3A_564 = tpu.memref_slice %arg7[%dma_start3A_553] : memref<5x!tpu.dma_semaphore, #tpu.memory_space<semaphore_mem>> -> memref<1x!tpu.dma_semaphore, #tpu.memory_space<semaphore_mem>>
      %dma_start3A_565 = tpu.memref_squeeze %dma_start3A_564 : memref<1x!tpu.dma_semaphore, #tpu.memory_space<semaphore_mem>> -> memref<!tpu.dma_semaphore, #tpu.memory_space<semaphore_mem>>
      tpu.enqueue_indirect_dma source(%dma_start3A_563 : memref<100000x128xf32, #tpu.memory_space<hbm>>) target(%dma_start3A_557 : memref<128x128xf32, #tpu.memory_space<vmem>>) offsets(%dma_start3A_560 : memref<128xi32, #tpu.memory_space<vmem>>) semaphore(%dma_start3A_565 : memref<!tpu.dma_semaphore, #tpu.memory_space<semaphore_mem>>)
      %dma_wait3A_566 = arith.constant 0 : i32
      %dma_wait3A_567 = arith.constant 3 : i32
      %dma_wait3A_568 = arith.constant 3 : i32
      %dma_wait3A_569 = arith.constant 0 : i32
      %dma_wait3A_570 = arith.constant 0 : i32
      %dma_wait3A_571 = tpu.memref_slice %arg6[%dma_wait3A_567, %dma_wait3A_569, %dma_wait3A_570] : memref<5x128x128xf32, #tpu.memory_space<vmem>> -> memref<1x128x128xf32, #tpu.memory_space<vmem>>
      %dma_wait3A_572 = tpu.memref_squeeze %dma_wait3A_571 : memref<1x128x128xf32, #tpu.memory_space<vmem>> -> memref<128x128xf32, #tpu.memory_space<vmem>>
      %dma_wait3A_573 = arith.constant 0 : i32
      %dma_wait3A_574 = tpu.memref_slice %arg5[%dma_wait3A_566, %dma_wait3A_573] : memref<50x128xi32, #tpu.memory_space<vmem>> -> memref<1x128xi32, #tpu.memory_space<vmem>>
      %dma_wait3A_575 = tpu.memref_squeeze %dma_wait3A_574 : memref<1x128xi32, #tpu.memory_space<vmem>> -> memref<128xi32, #tpu.memory_space<vmem>>
      %dma_wait3A_576 = arith.constant 0 : i32
      %dma_wait3A_577 = arith.constant 0 : i32
      %dma_wait3A_578 = tpu.memref_slice %arg2[%dma_wait3A_576, %dma_wait3A_577] : memref<100000x128xf32, #tpu.memory_space<hbm>> -> memref<100000x128xf32, #tpu.memory_space<hbm>>
      %dma_wait3A_579 = tpu.memref_slice %arg7[%dma_wait3A_568] : memref<5x!tpu.dma_semaphore, #tpu.memory_space<semaphore_mem>> -> memref<1x!tpu.dma_semaphore, #tpu.memory_space<semaphore_mem>>
      %dma_wait3A_580 = tpu.memref_squeeze %dma_wait3A_579 : memref<1x!tpu.dma_semaphore, #tpu.memory_space<semaphore_mem>> -> memref<!tpu.dma_semaphore, #tpu.memory_space<semaphore_mem>>
      tpu.wait_indirect_dma semaphore(%dma_wait3A_580 : memref<!tpu.dma_semaphore, #tpu.memory_space<semaphore_mem>>) src(%dma_wait3A_578 : memref<100000x128xf32, #tpu.memory_space<hbm>>) dst(%dma_wait3A_572 : memref<128x128xf32, #tpu.memory_space<vmem>>)
      %add3A_581 = arith.constant 3 : i32
      %add3A_582 = arith.addi %add3A_349, %add3A_581 : i32
      %add3A_583 = arith.addi %mul3A_2, %add3A_582 : i32
      %mul3A_584 = arith.constant 128 : i32
      %mul3A_585 = arith.muli %add3A_583, %mul3A_584 : i32
      %dma_start3A_586 = arith.constant 3 : i32
      %dma_start3A_587 = arith.constant 3 : i32
      %dma_start3A_588 = arith.constant 0 : i32
      %dma_start3A_589 = arith.constant 0 : i32
      %dma_start3A_590 = tpu.memref_slice %arg6[%dma_start3A_586, %dma_start3A_588, %dma_start3A_589] : memref<5x128x128xf32, #tpu.memory_space<vmem>> -> memref<1x128x128xf32, #tpu.memory_space<vmem>>
      %dma_start3A_591 = tpu.memref_squeeze %dma_start3A_590 : memref<1x128x128xf32, #tpu.memory_space<vmem>> -> memref<128x128xf32, #tpu.memory_space<vmem>>
      %dma_start3A_592 = arith.constant 0 : i32
      %dma_start3A_593 = tpu.memref_slice %arg4[%mul3A_585, %dma_start3A_592] : memref<204800x128xf32, #tpu.memory_space<hbm>> -> memref<128x128xf32, #tpu.memory_space<hbm>>
      %dma_start3A_594 = tpu.memref_slice %arg8[%dma_start3A_587] : memref<5x!tpu.dma_semaphore, #tpu.memory_space<semaphore_mem>> -> memref<1x!tpu.dma_semaphore, #tpu.memory_space<semaphore_mem>>
      %dma_start3A_595 = tpu.memref_squeeze %dma_start3A_594 : memref<1x!tpu.dma_semaphore, #tpu.memory_space<semaphore_mem>> -> memref<!tpu.dma_semaphore, #tpu.memory_space<semaphore_mem>>
      %dma_start3A_596 = arith.constant 0 : i32
      %dma_start3A_597 = tpu.memref_slice %arg4[%mul3A_585, %dma_start3A_596] : memref<204800x128xf32, #tpu.memory_space<hbm>> -> memref<128x128xf32, #tpu.memory_space<hbm>>
      %dma_start3A_598 = arith.constant 0 : i32
      %dma_start3A_599 = arith.constant 0 : i32
      %dma_start3A_600 = tpu.memref_slice %arg6[%dma_start3A_586, %dma_start3A_598, %dma_start3A_599] : memref<5x128x128xf32, #tpu.memory_space<vmem>> -> memref<1x128x128xf32, #tpu.memory_space<vmem>>
      %dma_start3A_601 = tpu.memref_squeeze %dma_start3A_600 : memref<1x128x128xf32, #tpu.memory_space<vmem>> -> memref<128x128xf32, #tpu.memory_space<vmem>>
      tpu.enqueue_dma source(%dma_start3A_601 : memref<128x128xf32, #tpu.memory_space<vmem>>) target(%dma_start3A_597 : memref<128x128xf32, #tpu.memory_space<hbm>>) target_semaphore(%dma_start3A_595 : memref<!tpu.dma_semaphore, #tpu.memory_space<semaphore_mem>>)
      %mul3A_602 = arith.constant 128 : i32
      %mul3A_603 = arith.muli %mul3A_2, %mul3A_602 : i32
      %dma_wait3A_604 = arith.constant 3 : i32
      %dma_wait3A_605 = arith.constant 3 : i32
      %dma_wait3A_606 = arith.constant 0 : i32
      %dma_wait3A_607 = arith.constant 0 : i32
      %dma_wait3A_608 = tpu.memref_slice %arg6[%dma_wait3A_604, %dma_wait3A_606, %dma_wait3A_607] : memref<5x128x128xf32, #tpu.memory_space<vmem>> -> memref<1x128x128xf32, #tpu.memory_space<vmem>>
      %dma_wait3A_609 = tpu.memref_squeeze %dma_wait3A_608 : memref<1x128x128xf32, #tpu.memory_space<vmem>> -> memref<128x128xf32, #tpu.memory_space<vmem>>
      %dma_wait3A_610 = arith.constant 0 : i32
      %dma_wait3A_611 = tpu.memref_slice %arg4[%mul3A_603, %dma_wait3A_610] : memref<204800x128xf32, #tpu.memory_space<hbm>> -> memref<128x128xf32, #tpu.memory_space<hbm>>
      %dma_wait3A_612 = tpu.memref_slice %arg8[%dma_wait3A_605] : memref<5x!tpu.dma_semaphore, #tpu.memory_space<semaphore_mem>> -> memref<1x!tpu.dma_semaphore, #tpu.memory_space<semaphore_mem>>
      %dma_wait3A_613 = tpu.memref_squeeze %dma_wait3A_612 : memref<1x!tpu.dma_semaphore, #tpu.memory_space<semaphore_mem>> -> memref<!tpu.dma_semaphore, #tpu.memory_space<semaphore_mem>>
      %dma_wait3A_614 = arith.constant 0 : i32
      %dma_wait3A_615 = tpu.memref_slice %arg4[%mul3A_603, %dma_wait3A_614] : memref<204800x128xf32, #tpu.memory_space<hbm>> -> memref<128x128xf32, #tpu.memory_space<hbm>>
      %dma_wait3A_616 = arith.constant 0 : i32
      %dma_wait3A_617 = arith.constant 0 : i32
      %dma_wait3A_618 = tpu.memref_slice %arg6[%dma_wait3A_604, %dma_wait3A_616, %dma_wait3A_617] : memref<5x128x128xf32, #tpu.memory_space<vmem>> -> memref<1x128x128xf32, #tpu.memory_space<vmem>>
      %dma_wait3A_619 = tpu.memref_squeeze %dma_wait3A_618 : memref<1x128x128xf32, #tpu.memory_space<vmem>> -> memref<128x128xf32, #tpu.memory_space<vmem>>
      tpu.wait_dma2 semaphore(%dma_wait3A_613 : memref<!tpu.dma_semaphore, #tpu.memory_space<semaphore_mem>>) src(%dma_wait3A_619 : memref<128x128xf32, #tpu.memory_space<vmem>>) dst(%dma_wait3A_615 : memref<128x128xf32, #tpu.memory_space<hbm>>)
      %add3A_620 = arith.constant 3 : i32
      %add3A_621 = arith.addi %add3A_349, %add3A_620 : i32
      %add3A_622 = arith.constant 5 : i32
      %add3A_623 = arith.addi %add3A_621, %add3A_622 : i32
      %dma_start3A_624 = arith.constant 3 : i32
      %dma_start3A_625 = arith.constant 3 : i32
      %dma_start3A_626 = arith.constant 0 : i32
      %dma_start3A_627 = arith.constant 0 : i32
      %dma_start3A_628 = tpu.memref_slice %arg6[%dma_start3A_624, %dma_start3A_626, %dma_start3A_627] : memref<5x128x128xf32, #tpu.memory_space<vmem>> -> memref<1x128x128xf32, #tpu.memory_space<vmem>>
      %dma_start3A_629 = tpu.memref_squeeze %dma_start3A_628 : memref<1x128x128xf32, #tpu.memory_space<vmem>> -> memref<128x128xf32, #tpu.memory_space<vmem>>
      %dma_start3A_630 = arith.constant 0 : i32
      %dma_start3A_631 = tpu.memref_slice %arg5[%add3A_623, %dma_start3A_630] : memref<50x128xi32, #tpu.memory_space<vmem>> -> memref<1x128xi32, #tpu.memory_space<vmem>>
      %dma_start3A_632 = tpu.memref_squeeze %dma_start3A_631 : memref<1x128xi32, #tpu.memory_space<vmem>> -> memref<128xi32, #tpu.memory_space<vmem>>
      %dma_start3A_633 = arith.constant 0 : i32
      %dma_start3A_634 = arith.constant 0 : i32
      %dma_start3A_635 = tpu.memref_slice %arg2[%dma_start3A_633, %dma_start3A_634] : memref<100000x128xf32, #tpu.memory_space<hbm>> -> memref<100000x128xf32, #tpu.memory_space<hbm>>
      %dma_start3A_636 = tpu.memref_slice %arg7[%dma_start3A_625] : memref<5x!tpu.dma_semaphore, #tpu.memory_space<semaphore_mem>> -> memref<1x!tpu.dma_semaphore, #tpu.memory_space<semaphore_mem>>
      %dma_start3A_637 = tpu.memref_squeeze %dma_start3A_636 : memref<1x!tpu.dma_semaphore, #tpu.memory_space<semaphore_mem>> -> memref<!tpu.dma_semaphore, #tpu.memory_space<semaphore_mem>>
      tpu.enqueue_indirect_dma source(%dma_start3A_635 : memref<100000x128xf32, #tpu.memory_space<hbm>>) target(%dma_start3A_629 : memref<128x128xf32, #tpu.memory_space<vmem>>) offsets(%dma_start3A_632 : memref<128xi32, #tpu.memory_space<vmem>>) semaphore(%dma_start3A_637 : memref<!tpu.dma_semaphore, #tpu.memory_space<semaphore_mem>>)
      %dma_wait3A_638 = arith.constant 0 : i32
      %dma_wait3A_639 = arith.constant 4 : i32
      %dma_wait3A_640 = arith.constant 4 : i32
      %dma_wait3A_641 = arith.constant 0 : i32
      %dma_wait3A_642 = arith.constant 0 : i32
      %dma_wait3A_643 = tpu.memref_slice %arg6[%dma_wait3A_639, %dma_wait3A_641, %dma_wait3A_642] : memref<5x128x128xf32, #tpu.memory_space<vmem>> -> memref<1x128x128xf32, #tpu.memory_space<vmem>>
      %dma_wait3A_644 = tpu.memref_squeeze %dma_wait3A_643 : memref<1x128x128xf32, #tpu.memory_space<vmem>> -> memref<128x128xf32, #tpu.memory_space<vmem>>
      %dma_wait3A_645 = arith.constant 0 : i32
      %dma_wait3A_646 = tpu.memref_slice %arg5[%dma_wait3A_638, %dma_wait3A_645] : memref<50x128xi32, #tpu.memory_space<vmem>> -> memref<1x128xi32, #tpu.memory_space<vmem>>
      %dma_wait3A_647 = tpu.memref_squeeze %dma_wait3A_646 : memref<1x128xi32, #tpu.memory_space<vmem>> -> memref<128xi32, #tpu.memory_space<vmem>>
      %dma_wait3A_648 = arith.constant 0 : i32
      %dma_wait3A_649 = arith.constant 0 : i32
      %dma_wait3A_650 = tpu.memref_slice %arg2[%dma_wait3A_648, %dma_wait3A_649] : memref<100000x128xf32, #tpu.memory_space<hbm>> -> memref<100000x128xf32, #tpu.memory_space<hbm>>
      %dma_wait3A_651 = tpu.memref_slice %arg7[%dma_wait3A_640] : memref<5x!tpu.dma_semaphore, #tpu.memory_space<semaphore_mem>> -> memref<1x!tpu.dma_semaphore, #tpu.memory_space<semaphore_mem>>
      %dma_wait3A_652 = tpu.memref_squeeze %dma_wait3A_651 : memref<1x!tpu.dma_semaphore, #tpu.memory_space<semaphore_mem>> -> memref<!tpu.dma_semaphore, #tpu.memory_space<semaphore_mem>>
      tpu.wait_indirect_dma semaphore(%dma_wait3A_652 : memref<!tpu.dma_semaphore, #tpu.memory_space<semaphore_mem>>) src(%dma_wait3A_650 : memref<100000x128xf32, #tpu.memory_space<hbm>>) dst(%dma_wait3A_644 : memref<128x128xf32, #tpu.memory_space<vmem>>)
      %add3A_653 = arith.constant 4 : i32
      %add3A_654 = arith.addi %add3A_349, %add3A_653 : i32
      %add3A_655 = arith.addi %mul3A_2, %add3A_654 : i32
      %mul3A_656 = arith.constant 128 : i32
      %mul3A_657 = arith.muli %add3A_655, %mul3A_656 : i32
      %dma_start3A_658 = arith.constant 4 : i32
      %dma_start3A_659 = arith.constant 4 : i32
      %dma_start3A_660 = arith.constant 0 : i32
      %dma_start3A_661 = arith.constant 0 : i32
      %dma_start3A_662 = tpu.memref_slice %arg6[%dma_start3A_658, %dma_start3A_660, %dma_start3A_661] : memref<5x128x128xf32, #tpu.memory_space<vmem>> -> memref<1x128x128xf32, #tpu.memory_space<vmem>>
      %dma_start3A_663 = tpu.memref_squeeze %dma_start3A_662 : memref<1x128x128xf32, #tpu.memory_space<vmem>> -> memref<128x128xf32, #tpu.memory_space<vmem>>
      %dma_start3A_664 = arith.constant 0 : i32
      %dma_start3A_665 = tpu.memref_slice %arg4[%mul3A_657, %dma_start3A_664] : memref<204800x128xf32, #tpu.memory_space<hbm>> -> memref<128x128xf32, #tpu.memory_space<hbm>>
      %dma_start3A_666 = tpu.memref_slice %arg8[%dma_start3A_659] : memref<5x!tpu.dma_semaphore, #tpu.memory_space<semaphore_mem>> -> memref<1x!tpu.dma_semaphore, #tpu.memory_space<semaphore_mem>>
      %dma_start3A_667 = tpu.memref_squeeze %dma_start3A_666 : memref<1x!tpu.dma_semaphore, #tpu.memory_space<semaphore_mem>> -> memref<!tpu.dma_semaphore, #tpu.memory_space<semaphore_mem>>
      %dma_start3A_668 = arith.constant 0 : i32
      %dma_start3A_669 = tpu.memref_slice %arg4[%mul3A_657, %dma_start3A_668] : memref<204800x128xf32, #tpu.memory_space<hbm>> -> memref<128x128xf32, #tpu.memory_space<hbm>>
      %dma_start3A_670 = arith.constant 0 : i32
      %dma_start3A_671 = arith.constant 0 : i32
      %dma_start3A_672 = tpu.memref_slice %arg6[%dma_start3A_658, %dma_start3A_670, %dma_start3A_671] : memref<5x128x128xf32, #tpu.memory_space<vmem>> -> memref<1x128x128xf32, #tpu.memory_space<vmem>>
      %dma_start3A_673 = tpu.memref_squeeze %dma_start3A_672 : memref<1x128x128xf32, #tpu.memory_space<vmem>> -> memref<128x128xf32, #tpu.memory_space<vmem>>
      tpu.enqueue_dma source(%dma_start3A_673 : memref<128x128xf32, #tpu.memory_space<vmem>>) target(%dma_start3A_669 : memref<128x128xf32, #tpu.memory_space<hbm>>) target_semaphore(%dma_start3A_667 : memref<!tpu.dma_semaphore, #tpu.memory_space<semaphore_mem>>)
      %mul3A_674 = arith.constant 128 : i32
      %mul3A_675 = arith.muli %mul3A_2, %mul3A_674 : i32
      %dma_wait3A_676 = arith.constant 4 : i32
      %dma_wait3A_677 = arith.constant 4 : i32
      %dma_wait3A_678 = arith.constant 0 : i32
      %dma_wait3A_679 = arith.constant 0 : i32
      %dma_wait3A_680 = tpu.memref_slice %arg6[%dma_wait3A_676, %dma_wait3A_678, %dma_wait3A_679] : memref<5x128x128xf32, #tpu.memory_space<vmem>> -> memref<1x128x128xf32, #tpu.memory_space<vmem>>
      %dma_wait3A_681 = tpu.memref_squeeze %dma_wait3A_680 : memref<1x128x128xf32, #tpu.memory_space<vmem>> -> memref<128x128xf32, #tpu.memory_space<vmem>>
      %dma_wait3A_682 = arith.constant 0 : i32
      %dma_wait3A_683 = tpu.memref_slice %arg4[%mul3A_675, %dma_wait3A_682] : memref<204800x128xf32, #tpu.memory_space<hbm>> -> memref<128x128xf32, #tpu.memory_space<hbm>>
      %dma_wait3A_684 = tpu.memref_slice %arg8[%dma_wait3A_677] : memref<5x!tpu.dma_semaphore, #tpu.memory_space<semaphore_mem>> -> memref<1x!tpu.dma_semaphore, #tpu.memory_space<semaphore_mem>>
      %dma_wait3A_685 = tpu.memref_squeeze %dma_wait3A_684 : memref<1x!tpu.dma_semaphore, #tpu.memory_space<semaphore_mem>> -> memref<!tpu.dma_semaphore, #tpu.memory_space<semaphore_mem>>
      %dma_wait3A_686 = arith.constant 0 : i32
      %dma_wait3A_687 = tpu.memref_slice %arg4[%mul3A_675, %dma_wait3A_686] : memref<204800x128xf32, #tpu.memory_space<hbm>> -> memref<128x128xf32, #tpu.memory_space<hbm>>
      %dma_wait3A_688 = arith.constant 0 : i32
      %dma_wait3A_689 = arith.constant 0 : i32
      %dma_wait3A_690 = tpu.memref_slice %arg6[%dma_wait3A_676, %dma_wait3A_688, %dma_wait3A_689] : memref<5x128x128xf32, #tpu.memory_space<vmem>> -> memref<1x128x128xf32, #tpu.memory_space<vmem>>
      %dma_wait3A_691 = tpu.memref_squeeze %dma_wait3A_690 : memref<1x128x128xf32, #tpu.memory_space<vmem>> -> memref<128x128xf32, #tpu.memory_space<vmem>>
      tpu.wait_dma2 semaphore(%dma_wait3A_685 : memref<!tpu.dma_semaphore, #tpu.memory_space<semaphore_mem>>) src(%dma_wait3A_691 : memref<128x128xf32, #tpu.memory_space<vmem>>) dst(%dma_wait3A_687 : memref<128x128xf32, #tpu.memory_space<hbm>>)
      %add3A_692 = arith.constant 4 : i32
      %add3A_693 = arith.addi %add3A_349, %add3A_692 : i32
      %add3A_694 = arith.constant 5 : i32
      %add3A_695 = arith.addi %add3A_693, %add3A_694 : i32
      %dma_start3A_696 = arith.constant 4 : i32
      %dma_start3A_697 = arith.constant 4 : i32
      %dma_start3A_698 = arith.constant 0 : i32
      %dma_start3A_699 = arith.constant 0 : i32
      %dma_start3A_700 = tpu.memref_slice %arg6[%dma_start3A_696, %dma_start3A_698, %dma_start3A_699] : memref<5x128x128xf32, #tpu.memory_space<vmem>> -> memref<1x128x128xf32, #tpu.memory_space<vmem>>
      %dma_start3A_701 = tpu.memref_squeeze %dma_start3A_700 : memref<1x128x128xf32, #tpu.memory_space<vmem>> -> memref<128x128xf32, #tpu.memory_space<vmem>>
      %dma_start3A_702 = arith.constant 0 : i32
      %dma_start3A_703 = tpu.memref_slice %arg5[%add3A_695, %dma_start3A_702] : memref<50x128xi32, #tpu.memory_space<vmem>> -> memref<1x128xi32, #tpu.memory_space<vmem>>
      %dma_start3A_704 = tpu.memref_squeeze %dma_start3A_703 : memref<1x128xi32, #tpu.memory_space<vmem>> -> memref<128xi32, #tpu.memory_space<vmem>>
      %dma_start3A_705 = arith.constant 0 : i32
      %dma_start3A_706 = arith.constant 0 : i32
      %dma_start3A_707 = tpu.memref_slice %arg2[%dma_start3A_705, %dma_start3A_706] : memref<100000x128xf32, #tpu.memory_space<hbm>> -> memref<100000x128xf32, #tpu.memory_space<hbm>>
      %dma_start3A_708 = tpu.memref_slice %arg7[%dma_start3A_697] : memref<5x!tpu.dma_semaphore, #tpu.memory_space<semaphore_mem>> -> memref<1x!tpu.dma_semaphore, #tpu.memory_space<semaphore_mem>>
      %dma_start3A_709 = tpu.memref_squeeze %dma_start3A_708 : memref<1x!tpu.dma_semaphore, #tpu.memory_space<semaphore_mem>> -> memref<!tpu.dma_semaphore, #tpu.memory_space<semaphore_mem>>
      tpu.enqueue_indirect_dma source(%dma_start3A_707 : memref<100000x128xf32, #tpu.memory_space<hbm>>) target(%dma_start3A_701 : memref<128x128xf32, #tpu.memory_space<vmem>>) offsets(%dma_start3A_704 : memref<128xi32, #tpu.memory_space<vmem>>) semaphore(%dma_start3A_709 : memref<!tpu.dma_semaphore, #tpu.memory_space<semaphore_mem>>)
    }
    %scan3A_80 = arith.constant 9 : i32
    %dma_wait3A = arith.constant 0 : i32
    %dma_wait3A_81 = arith.constant 0 : i32
    %dma_wait3A_82 = arith.constant 0 : i32
    %dma_wait3A_83 = arith.constant 0 : i32
    %dma_wait3A_84 = arith.constant 0 : i32
    %dma_wait3A_85 = tpu.memref_slice %arg6[%dma_wait3A_81, %dma_wait3A_83, %dma_wait3A_84] : memref<5x128x128xf32, #tpu.memory_space<vmem>> -> memref<1x128x128xf32, #tpu.memory_space<vmem>>
    %dma_wait3A_86 = tpu.memref_squeeze %dma_wait3A_85 : memref<1x128x128xf32, #tpu.memory_space<vmem>> -> memref<128x128xf32, #tpu.memory_space<vmem>>
    %dma_wait3A_87 = arith.constant 0 : i32
    %dma_wait3A_88 = tpu.memref_slice %arg5[%dma_wait3A, %dma_wait3A_87] : memref<50x128xi32, #tpu.memory_space<vmem>> -> memref<1x128xi32, #tpu.memory_space<vmem>>
    %dma_wait3A_89 = tpu.memref_squeeze %dma_wait3A_88 : memref<1x128xi32, #tpu.memory_space<vmem>> -> memref<128xi32, #tpu.memory_space<vmem>>
    %dma_wait3A_90 = arith.constant 0 : i32
    %dma_wait3A_91 = arith.constant 0 : i32
    %dma_wait3A_92 = tpu.memref_slice %arg2[%dma_wait3A_90, %dma_wait3A_91] : memref<100000x128xf32, #tpu.memory_space<hbm>> -> memref<100000x128xf32, #tpu.memory_space<hbm>>
    %dma_wait3A_93 = tpu.memref_slice %arg7[%dma_wait3A_82] : memref<5x!tpu.dma_semaphore, #tpu.memory_space<semaphore_mem>> -> memref<1x!tpu.dma_semaphore, #tpu.memory_space<semaphore_mem>>
    %dma_wait3A_94 = tpu.memref_squeeze %dma_wait3A_93 : memref<1x!tpu.dma_semaphore, #tpu.memory_space<semaphore_mem>> -> memref<!tpu.dma_semaphore, #tpu.memory_space<semaphore_mem>>
    tpu.wait_indirect_dma semaphore(%dma_wait3A_94 : memref<!tpu.dma_semaphore, #tpu.memory_space<semaphore_mem>>) src(%dma_wait3A_92 : memref<100000x128xf32, #tpu.memory_space<hbm>>) dst(%dma_wait3A_86 : memref<128x128xf32, #tpu.memory_space<vmem>>)
    %add3A_95 = arith.constant 45 : i32
    %add3A_96 = arith.addi %mul3A_2, %add3A_95 : i32
    %mul3A_97 = arith.constant 128 : i32
    %mul3A_98 = arith.muli %add3A_96, %mul3A_97 : i32
    %dma_start3A_99 = arith.constant 0 : i32
    %dma_start3A_100 = arith.constant 0 : i32
    %dma_start3A_101 = arith.constant 0 : i32
    %dma_start3A_102 = arith.constant 0 : i32
    %dma_start3A_103 = tpu.memref_slice %arg6[%dma_start3A_99, %dma_start3A_101, %dma_start3A_102] : memref<5x128x128xf32, #tpu.memory_space<vmem>> -> memref<1x128x128xf32, #tpu.memory_space<vmem>>
    %dma_start3A_104 = tpu.memref_squeeze %dma_start3A_103 : memref<1x128x128xf32, #tpu.memory_space<vmem>> -> memref<128x128xf32, #tpu.memory_space<vmem>>
    %dma_start3A_105 = arith.constant 0 : i32
    %dma_start3A_106 = tpu.memref_slice %arg4[%mul3A_98, %dma_start3A_105] : memref<204800x128xf32, #tpu.memory_space<hbm>> -> memref<128x128xf32, #tpu.memory_space<hbm>>
    %dma_start3A_107 = tpu.memref_slice %arg8[%dma_start3A_100] : memref<5x!tpu.dma_semaphore, #tpu.memory_space<semaphore_mem>> -> memref<1x!tpu.dma_semaphore, #tpu.memory_space<semaphore_mem>>
    %dma_start3A_108 = tpu.memref_squeeze %dma_start3A_107 : memref<1x!tpu.dma_semaphore, #tpu.memory_space<semaphore_mem>> -> memref<!tpu.dma_semaphore, #tpu.memory_space<semaphore_mem>>
    %dma_start3A_109 = arith.constant 0 : i32
    %dma_start3A_110 = tpu.memref_slice %arg4[%mul3A_98, %dma_start3A_109] : memref<204800x128xf32, #tpu.memory_space<hbm>> -> memref<128x128xf32, #tpu.memory_space<hbm>>
    %dma_start3A_111 = arith.constant 0 : i32
    %dma_start3A_112 = arith.constant 0 : i32
    %dma_start3A_113 = tpu.memref_slice %arg6[%dma_start3A_99, %dma_start3A_111, %dma_start3A_112] : memref<5x128x128xf32, #tpu.memory_space<vmem>> -> memref<1x128x128xf32, #tpu.memory_space<vmem>>
    %dma_start3A_114 = tpu.memref_squeeze %dma_start3A_113 : memref<1x128x128xf32, #tpu.memory_space<vmem>> -> memref<128x128xf32, #tpu.memory_space<vmem>>
    tpu.enqueue_dma source(%dma_start3A_114 : memref<128x128xf32, #tpu.memory_space<vmem>>) target(%dma_start3A_110 : memref<128x128xf32, #tpu.memory_space<hbm>>) target_semaphore(%dma_start3A_108 : memref<!tpu.dma_semaphore, #tpu.memory_space<semaphore_mem>>)
    %mul3A_115 = arith.constant 128 : i32
    %mul3A_116 = arith.muli %mul3A_2, %mul3A_115 : i32
    %dma_wait3A_117 = arith.constant 0 : i32
    %dma_wait3A_118 = arith.constant 0 : i32
    %dma_wait3A_119 = arith.constant 0 : i32
    %dma_wait3A_120 = arith.constant 0 : i32
    %dma_wait3A_121 = tpu.memref_slice %arg6[%dma_wait3A_117, %dma_wait3A_119, %dma_wait3A_120] : memref<5x128x128xf32, #tpu.memory_space<vmem>> -> memref<1x128x128xf32, #tpu.memory_space<vmem>>
    %dma_wait3A_122 = tpu.memref_squeeze %dma_wait3A_121 : memref<1x128x128xf32, #tpu.memory_space<vmem>> -> memref<128x128xf32, #tpu.memory_space<vmem>>
    %dma_wait3A_123 = arith.constant 0 : i32
    %dma_wait3A_124 = tpu.memref_slice %arg4[%mul3A_116, %dma_wait3A_123] : memref<204800x128xf32, #tpu.memory_space<hbm>> -> memref<128x128xf32, #tpu.memory_space<hbm>>
    %dma_wait3A_125 = tpu.memref_slice %arg8[%dma_wait3A_118] : memref<5x!tpu.dma_semaphore, #tpu.memory_space<semaphore_mem>> -> memref<1x!tpu.dma_semaphore, #tpu.memory_space<semaphore_mem>>
    %dma_wait3A_126 = tpu.memref_squeeze %dma_wait3A_125 : memref<1x!tpu.dma_semaphore, #tpu.memory_space<semaphore_mem>> -> memref<!tpu.dma_semaphore, #tpu.memory_space<semaphore_mem>>
    %dma_wait3A_127 = arith.constant 0 : i32
    %dma_wait3A_128 = tpu.memref_slice %arg4[%mul3A_116, %dma_wait3A_127] : memref<204800x128xf32, #tpu.memory_space<hbm>> -> memref<128x128xf32, #tpu.memory_space<hbm>>
    %dma_wait3A_129 = arith.constant 0 : i32
    %dma_wait3A_130 = arith.constant 0 : i32
    %dma_wait3A_131 = tpu.memref_slice %arg6[%dma_wait3A_117, %dma_wait3A_129, %dma_wait3A_130] : memref<5x128x128xf32, #tpu.memory_space<vmem>> -> memref<1x128x128xf32, #tpu.memory_space<vmem>>
    %dma_wait3A_132 = tpu.memref_squeeze %dma_wait3A_131 : memref<1x128x128xf32, #tpu.memory_space<vmem>> -> memref<128x128xf32, #tpu.memory_space<vmem>>
    tpu.wait_dma2 semaphore(%dma_wait3A_126 : memref<!tpu.dma_semaphore, #tpu.memory_space<semaphore_mem>>) src(%dma_wait3A_132 : memref<128x128xf32, #tpu.memory_space<vmem>>) dst(%dma_wait3A_128 : memref<128x128xf32, #tpu.memory_space<hbm>>)
    %dma_wait3A_133 = arith.constant 0 : i32
    %dma_wait3A_134 = arith.constant 1 : i32
    %dma_wait3A_135 = arith.constant 1 : i32
    %dma_wait3A_136 = arith.constant 0 : i32
    %dma_wait3A_137 = arith.constant 0 : i32
    %dma_wait3A_138 = tpu.memref_slice %arg6[%dma_wait3A_134, %dma_wait3A_136, %dma_wait3A_137] : memref<5x128x128xf32, #tpu.memory_space<vmem>> -> memref<1x128x128xf32, #tpu.memory_space<vmem>>
    %dma_wait3A_139 = tpu.memref_squeeze %dma_wait3A_138 : memref<1x128x128xf32, #tpu.memory_space<vmem>> -> memref<128x128xf32, #tpu.memory_space<vmem>>
    %dma_wait3A_140 = arith.constant 0 : i32
    %dma_wait3A_141 = tpu.memref_slice %arg5[%dma_wait3A_133, %dma_wait3A_140] : memref<50x128xi32, #tpu.memory_space<vmem>> -> memref<1x128xi32, #tpu.memory_space<vmem>>
    %dma_wait3A_142 = tpu.memref_squeeze %dma_wait3A_141 : memref<1x128xi32, #tpu.memory_space<vmem>> -> memref<128xi32, #tpu.memory_space<vmem>>
    %dma_wait3A_143 = arith.constant 0 : i32
    %dma_wait3A_144 = arith.constant 0 : i32
    %dma_wait3A_145 = tpu.memref_slice %arg2[%dma_wait3A_143, %dma_wait3A_144] : memref<100000x128xf32, #tpu.memory_space<hbm>> -> memref<100000x128xf32, #tpu.memory_space<hbm>>
    %dma_wait3A_146 = tpu.memref_slice %arg7[%dma_wait3A_135] : memref<5x!tpu.dma_semaphore, #tpu.memory_space<semaphore_mem>> -> memref<1x!tpu.dma_semaphore, #tpu.memory_space<semaphore_mem>>
    %dma_wait3A_147 = tpu.memref_squeeze %dma_wait3A_146 : memref<1x!tpu.dma_semaphore, #tpu.memory_space<semaphore_mem>> -> memref<!tpu.dma_semaphore, #tpu.memory_space<semaphore_mem>>
    tpu.wait_indirect_dma semaphore(%dma_wait3A_147 : memref<!tpu.dma_semaphore, #tpu.memory_space<semaphore_mem>>) src(%dma_wait3A_145 : memref<100000x128xf32, #tpu.memory_space<hbm>>) dst(%dma_wait3A_139 : memref<128x128xf32, #tpu.memory_space<vmem>>)
    %add3A_148 = arith.constant 46 : i32
    %add3A_149 = arith.addi %mul3A_2, %add3A_148 : i32
    %mul3A_150 = arith.constant 128 : i32
    %mul3A_151 = arith.muli %add3A_149, %mul3A_150 : i32
    %dma_start3A_152 = arith.constant 1 : i32
    %dma_start3A_153 = arith.constant 1 : i32
    %dma_start3A_154 = arith.constant 0 : i32
    %dma_start3A_155 = arith.constant 0 : i32
    %dma_start3A_156 = tpu.memref_slice %arg6[%dma_start3A_152, %dma_start3A_154, %dma_start3A_155] : memref<5x128x128xf32, #tpu.memory_space<vmem>> -> memref<1x128x128xf32, #tpu.memory_space<vmem>>
    %dma_start3A_157 = tpu.memref_squeeze %dma_start3A_156 : memref<1x128x128xf32, #tpu.memory_space<vmem>> -> memref<128x128xf32, #tpu.memory_space<vmem>>
    %dma_start3A_158 = arith.constant 0 : i32
    %dma_start3A_159 = tpu.memref_slice %arg4[%mul3A_151, %dma_start3A_158] : memref<204800x128xf32, #tpu.memory_space<hbm>> -> memref<128x128xf32, #tpu.memory_space<hbm>>
    %dma_start3A_160 = tpu.memref_slice %arg8[%dma_start3A_153] : memref<5x!tpu.dma_semaphore, #tpu.memory_space<semaphore_mem>> -> memref<1x!tpu.dma_semaphore, #tpu.memory_space<semaphore_mem>>
    %dma_start3A_161 = tpu.memref_squeeze %dma_start3A_160 : memref<1x!tpu.dma_semaphore, #tpu.memory_space<semaphore_mem>> -> memref<!tpu.dma_semaphore, #tpu.memory_space<semaphore_mem>>
    %dma_start3A_162 = arith.constant 0 : i32
    %dma_start3A_163 = tpu.memref_slice %arg4[%mul3A_151, %dma_start3A_162] : memref<204800x128xf32, #tpu.memory_space<hbm>> -> memref<128x128xf32, #tpu.memory_space<hbm>>
    %dma_start3A_164 = arith.constant 0 : i32
    %dma_start3A_165 = arith.constant 0 : i32
    %dma_start3A_166 = tpu.memref_slice %arg6[%dma_start3A_152, %dma_start3A_164, %dma_start3A_165] : memref<5x128x128xf32, #tpu.memory_space<vmem>> -> memref<1x128x128xf32, #tpu.memory_space<vmem>>
    %dma_start3A_167 = tpu.memref_squeeze %dma_start3A_166 : memref<1x128x128xf32, #tpu.memory_space<vmem>> -> memref<128x128xf32, #tpu.memory_space<vmem>>
    tpu.enqueue_dma source(%dma_start3A_167 : memref<128x128xf32, #tpu.memory_space<vmem>>) target(%dma_start3A_163 : memref<128x128xf32, #tpu.memory_space<hbm>>) target_semaphore(%dma_start3A_161 : memref<!tpu.dma_semaphore, #tpu.memory_space<semaphore_mem>>)
    %mul3A_168 = arith.constant 128 : i32
    %mul3A_169 = arith.muli %mul3A_2, %mul3A_168 : i32
    %dma_wait3A_170 = arith.constant 1 : i32
    %dma_wait3A_171 = arith.constant 1 : i32
    %dma_wait3A_172 = arith.constant 0 : i32
    %dma_wait3A_173 = arith.constant 0 : i32
    %dma_wait3A_174 = tpu.memref_slice %arg6[%dma_wait3A_170, %dma_wait3A_172, %dma_wait3A_173] : memref<5x128x128xf32, #tpu.memory_space<vmem>> -> memref<1x128x128xf32, #tpu.memory_space<vmem>>
    %dma_wait3A_175 = tpu.memref_squeeze %dma_wait3A_174 : memref<1x128x128xf32, #tpu.memory_space<vmem>> -> memref<128x128xf32, #tpu.memory_space<vmem>>
    %dma_wait3A_176 = arith.constant 0 : i32
    %dma_wait3A_177 = tpu.memref_slice %arg4[%mul3A_169, %dma_wait3A_176] : memref<204800x128xf32, #tpu.memory_space<hbm>> -> memref<128x128xf32, #tpu.memory_space<hbm>>
    %dma_wait3A_178 = tpu.memref_slice %arg8[%dma_wait3A_171] : memref<5x!tpu.dma_semaphore, #tpu.memory_space<semaphore_mem>> -> memref<1x!tpu.dma_semaphore, #tpu.memory_space<semaphore_mem>>
    %dma_wait3A_179 = tpu.memref_squeeze %dma_wait3A_178 : memref<1x!tpu.dma_semaphore, #tpu.memory_space<semaphore_mem>> -> memref<!tpu.dma_semaphore, #tpu.memory_space<semaphore_mem>>
    %dma_wait3A_180 = arith.constant 0 : i32
    %dma_wait3A_181 = tpu.memref_slice %arg4[%mul3A_169, %dma_wait3A_180] : memref<204800x128xf32, #tpu.memory_space<hbm>> -> memref<128x128xf32, #tpu.memory_space<hbm>>
    %dma_wait3A_182 = arith.constant 0 : i32
    %dma_wait3A_183 = arith.constant 0 : i32
    %dma_wait3A_184 = tpu.memref_slice %arg6[%dma_wait3A_170, %dma_wait3A_182, %dma_wait3A_183] : memref<5x128x128xf32, #tpu.memory_space<vmem>> -> memref<1x128x128xf32, #tpu.memory_space<vmem>>
    %dma_wait3A_185 = tpu.memref_squeeze %dma_wait3A_184 : memref<1x128x128xf32, #tpu.memory_space<vmem>> -> memref<128x128xf32, #tpu.memory_space<vmem>>
    tpu.wait_dma2 semaphore(%dma_wait3A_179 : memref<!tpu.dma_semaphore, #tpu.memory_space<semaphore_mem>>) src(%dma_wait3A_185 : memref<128x128xf32, #tpu.memory_space<vmem>>) dst(%dma_wait3A_181 : memref<128x128xf32, #tpu.memory_space<hbm>>)
    %dma_wait3A_186 = arith.constant 0 : i32
    %dma_wait3A_187 = arith.constant 2 : i32
    %dma_wait3A_188 = arith.constant 2 : i32
    %dma_wait3A_189 = arith.constant 0 : i32
    %dma_wait3A_190 = arith.constant 0 : i32
    %dma_wait3A_191 = tpu.memref_slice %arg6[%dma_wait3A_187, %dma_wait3A_189, %dma_wait3A_190] : memref<5x128x128xf32, #tpu.memory_space<vmem>> -> memref<1x128x128xf32, #tpu.memory_space<vmem>>
    %dma_wait3A_192 = tpu.memref_squeeze %dma_wait3A_191 : memref<1x128x128xf32, #tpu.memory_space<vmem>> -> memref<128x128xf32, #tpu.memory_space<vmem>>
    %dma_wait3A_193 = arith.constant 0 : i32
    %dma_wait3A_194 = tpu.memref_slice %arg5[%dma_wait3A_186, %dma_wait3A_193] : memref<50x128xi32, #tpu.memory_space<vmem>> -> memref<1x128xi32, #tpu.memory_space<vmem>>
    %dma_wait3A_195 = tpu.memref_squeeze %dma_wait3A_194 : memref<1x128xi32, #tpu.memory_space<vmem>> -> memref<128xi32, #tpu.memory_space<vmem>>
    %dma_wait3A_196 = arith.constant 0 : i32
    %dma_wait3A_197 = arith.constant 0 : i32
    %dma_wait3A_198 = tpu.memref_slice %arg2[%dma_wait3A_196, %dma_wait3A_197] : memref<100000x128xf32, #tpu.memory_space<hbm>> -> memref<100000x128xf32, #tpu.memory_space<hbm>>
    %dma_wait3A_199 = tpu.memref_slice %arg7[%dma_wait3A_188] : memref<5x!tpu.dma_semaphore, #tpu.memory_space<semaphore_mem>> -> memref<1x!tpu.dma_semaphore, #tpu.memory_space<semaphore_mem>>
    %dma_wait3A_200 = tpu.memref_squeeze %dma_wait3A_199 : memref<1x!tpu.dma_semaphore, #tpu.memory_space<semaphore_mem>> -> memref<!tpu.dma_semaphore, #tpu.memory_space<semaphore_mem>>
    tpu.wait_indirect_dma semaphore(%dma_wait3A_200 : memref<!tpu.dma_semaphore, #tpu.memory_space<semaphore_mem>>) src(%dma_wait3A_198 : memref<100000x128xf32, #tpu.memory_space<hbm>>) dst(%dma_wait3A_192 : memref<128x128xf32, #tpu.memory_space<vmem>>)
    %add3A_201 = arith.constant 47 : i32
    %add3A_202 = arith.addi %mul3A_2, %add3A_201 : i32
    %mul3A_203 = arith.constant 128 : i32
    %mul3A_204 = arith.muli %add3A_202, %mul3A_203 : i32
    %dma_start3A_205 = arith.constant 2 : i32
    %dma_start3A_206 = arith.constant 2 : i32
    %dma_start3A_207 = arith.constant 0 : i32
    %dma_start3A_208 = arith.constant 0 : i32
    %dma_start3A_209 = tpu.memref_slice %arg6[%dma_start3A_205, %dma_start3A_207, %dma_start3A_208] : memref<5x128x128xf32, #tpu.memory_space<vmem>> -> memref<1x128x128xf32, #tpu.memory_space<vmem>>
    %dma_start3A_210 = tpu.memref_squeeze %dma_start3A_209 : memref<1x128x128xf32, #tpu.memory_space<vmem>> -> memref<128x128xf32, #tpu.memory_space<vmem>>
    %dma_start3A_211 = arith.constant 0 : i32
    %dma_start3A_212 = tpu.memref_slice %arg4[%mul3A_204, %dma_start3A_211] : memref<204800x128xf32, #tpu.memory_space<hbm>> -> memref<128x128xf32, #tpu.memory_space<hbm>>
    %dma_start3A_213 = tpu.memref_slice %arg8[%dma_start3A_206] : memref<5x!tpu.dma_semaphore, #tpu.memory_space<semaphore_mem>> -> memref<1x!tpu.dma_semaphore, #tpu.memory_space<semaphore_mem>>
    %dma_start3A_214 = tpu.memref_squeeze %dma_start3A_213 : memref<1x!tpu.dma_semaphore, #tpu.memory_space<semaphore_mem>> -> memref<!tpu.dma_semaphore, #tpu.memory_space<semaphore_mem>>
    %dma_start3A_215 = arith.constant 0 : i32
    %dma_start3A_216 = tpu.memref_slice %arg4[%mul3A_204, %dma_start3A_215] : memref<204800x128xf32, #tpu.memory_space<hbm>> -> memref<128x128xf32, #tpu.memory_space<hbm>>
    %dma_start3A_217 = arith.constant 0 : i32
    %dma_start3A_218 = arith.constant 0 : i32
    %dma_start3A_219 = tpu.memref_slice %arg6[%dma_start3A_205, %dma_start3A_217, %dma_start3A_218] : memref<5x128x128xf32, #tpu.memory_space<vmem>> -> memref<1x128x128xf32, #tpu.memory_space<vmem>>
    %dma_start3A_220 = tpu.memref_squeeze %dma_start3A_219 : memref<1x128x128xf32, #tpu.memory_space<vmem>> -> memref<128x128xf32, #tpu.memory_space<vmem>>
    tpu.enqueue_dma source(%dma_start3A_220 : memref<128x128xf32, #tpu.memory_space<vmem>>) target(%dma_start3A_216 : memref<128x128xf32, #tpu.memory_space<hbm>>) target_semaphore(%dma_start3A_214 : memref<!tpu.dma_semaphore, #tpu.memory_space<semaphore_mem>>)
    %mul3A_221 = arith.constant 128 : i32
    %mul3A_222 = arith.muli %mul3A_2, %mul3A_221 : i32
    %dma_wait3A_223 = arith.constant 2 : i32
    %dma_wait3A_224 = arith.constant 2 : i32
    %dma_wait3A_225 = arith.constant 0 : i32
    %dma_wait3A_226 = arith.constant 0 : i32
    %dma_wait3A_227 = tpu.memref_slice %arg6[%dma_wait3A_223, %dma_wait3A_225, %dma_wait3A_226] : memref<5x128x128xf32, #tpu.memory_space<vmem>> -> memref<1x128x128xf32, #tpu.memory_space<vmem>>
    %dma_wait3A_228 = tpu.memref_squeeze %dma_wait3A_227 : memref<1x128x128xf32, #tpu.memory_space<vmem>> -> memref<128x128xf32, #tpu.memory_space<vmem>>
    %dma_wait3A_229 = arith.constant 0 : i32
    %dma_wait3A_230 = tpu.memref_slice %arg4[%mul3A_222, %dma_wait3A_229] : memref<204800x128xf32, #tpu.memory_space<hbm>> -> memref<128x128xf32, #tpu.memory_space<hbm>>
    %dma_wait3A_231 = tpu.memref_slice %arg8[%dma_wait3A_224] : memref<5x!tpu.dma_semaphore, #tpu.memory_space<semaphore_mem>> -> memref<1x!tpu.dma_semaphore, #tpu.memory_space<semaphore_mem>>
    %dma_wait3A_232 = tpu.memref_squeeze %dma_wait3A_231 : memref<1x!tpu.dma_semaphore, #tpu.memory_space<semaphore_mem>> -> memref<!tpu.dma_semaphore, #tpu.memory_space<semaphore_mem>>
    %dma_wait3A_233 = arith.constant 0 : i32
    %dma_wait3A_234 = tpu.memref_slice %arg4[%mul3A_222, %dma_wait3A_233] : memref<204800x128xf32, #tpu.memory_space<hbm>> -> memref<128x128xf32, #tpu.memory_space<hbm>>
    %dma_wait3A_235 = arith.constant 0 : i32
    %dma_wait3A_236 = arith.constant 0 : i32
    %dma_wait3A_237 = tpu.memref_slice %arg6[%dma_wait3A_223, %dma_wait3A_235, %dma_wait3A_236] : memref<5x128x128xf32, #tpu.memory_space<vmem>> -> memref<1x128x128xf32, #tpu.memory_space<vmem>>
    %dma_wait3A_238 = tpu.memref_squeeze %dma_wait3A_237 : memref<1x128x128xf32, #tpu.memory_space<vmem>> -> memref<128x128xf32, #tpu.memory_space<vmem>>
    tpu.wait_dma2 semaphore(%dma_wait3A_232 : memref<!tpu.dma_semaphore, #tpu.memory_space<semaphore_mem>>) src(%dma_wait3A_238 : memref<128x128xf32, #tpu.memory_space<vmem>>) dst(%dma_wait3A_234 : memref<128x128xf32, #tpu.memory_space<hbm>>)
    %dma_wait3A_239 = arith.constant 0 : i32
    %dma_wait3A_240 = arith.constant 3 : i32
    %dma_wait3A_241 = arith.constant 3 : i32
    %dma_wait3A_242 = arith.constant 0 : i32
    %dma_wait3A_243 = arith.constant 0 : i32
    %dma_wait3A_244 = tpu.memref_slice %arg6[%dma_wait3A_240, %dma_wait3A_242, %dma_wait3A_243] : memref<5x128x128xf32, #tpu.memory_space<vmem>> -> memref<1x128x128xf32, #tpu.memory_space<vmem>>
    %dma_wait3A_245 = tpu.memref_squeeze %dma_wait3A_244 : memref<1x128x128xf32, #tpu.memory_space<vmem>> -> memref<128x128xf32, #tpu.memory_space<vmem>>
    %dma_wait3A_246 = arith.constant 0 : i32
    %dma_wait3A_247 = tpu.memref_slice %arg5[%dma_wait3A_239, %dma_wait3A_246] : memref<50x128xi32, #tpu.memory_space<vmem>> -> memref<1x128xi32, #tpu.memory_space<vmem>>
    %dma_wait3A_248 = tpu.memref_squeeze %dma_wait3A_247 : memref<1x128xi32, #tpu.memory_space<vmem>> -> memref<128xi32, #tpu.memory_space<vmem>>
    %dma_wait3A_249 = arith.constant 0 : i32
    %dma_wait3A_250 = arith.constant 0 : i32
    %dma_wait3A_251 = tpu.memref_slice %arg2[%dma_wait3A_249, %dma_wait3A_250] : memref<100000x128xf32, #tpu.memory_space<hbm>> -> memref<100000x128xf32, #tpu.memory_space<hbm>>
    %dma_wait3A_252 = tpu.memref_slice %arg7[%dma_wait3A_241] : memref<5x!tpu.dma_semaphore, #tpu.memory_space<semaphore_mem>> -> memref<1x!tpu.dma_semaphore, #tpu.memory_space<semaphore_mem>>
    %dma_wait3A_253 = tpu.memref_squeeze %dma_wait3A_252 : memref<1x!tpu.dma_semaphore, #tpu.memory_space<semaphore_mem>> -> memref<!tpu.dma_semaphore, #tpu.memory_space<semaphore_mem>>
    tpu.wait_indirect_dma semaphore(%dma_wait3A_253 : memref<!tpu.dma_semaphore, #tpu.memory_space<semaphore_mem>>) src(%dma_wait3A_251 : memref<100000x128xf32, #tpu.memory_space<hbm>>) dst(%dma_wait3A_245 : memref<128x128xf32, #tpu.memory_space<vmem>>)
    %add3A_254 = arith.constant 48 : i32
    %add3A_255 = arith.addi %mul3A_2, %add3A_254 : i32
    %mul3A_256 = arith.constant 128 : i32
    %mul3A_257 = arith.muli %add3A_255, %mul3A_256 : i32
    %dma_start3A_258 = arith.constant 3 : i32
    %dma_start3A_259 = arith.constant 3 : i32
    %dma_start3A_260 = arith.constant 0 : i32
    %dma_start3A_261 = arith.constant 0 : i32
    %dma_start3A_262 = tpu.memref_slice %arg6[%dma_start3A_258, %dma_start3A_260, %dma_start3A_261] : memref<5x128x128xf32, #tpu.memory_space<vmem>> -> memref<1x128x128xf32, #tpu.memory_space<vmem>>
    %dma_start3A_263 = tpu.memref_squeeze %dma_start3A_262 : memref<1x128x128xf32, #tpu.memory_space<vmem>> -> memref<128x128xf32, #tpu.memory_space<vmem>>
    %dma_start3A_264 = arith.constant 0 : i32
    %dma_start3A_265 = tpu.memref_slice %arg4[%mul3A_257, %dma_start3A_264] : memref<204800x128xf32, #tpu.memory_space<hbm>> -> memref<128x128xf32, #tpu.memory_space<hbm>>
    %dma_start3A_266 = tpu.memref_slice %arg8[%dma_start3A_259] : memref<5x!tpu.dma_semaphore, #tpu.memory_space<semaphore_mem>> -> memref<1x!tpu.dma_semaphore, #tpu.memory_space<semaphore_mem>>
    %dma_start3A_267 = tpu.memref_squeeze %dma_start3A_266 : memref<1x!tpu.dma_semaphore, #tpu.memory_space<semaphore_mem>> -> memref<!tpu.dma_semaphore, #tpu.memory_space<semaphore_mem>>
    %dma_start3A_268 = arith.constant 0 : i32
    %dma_start3A_269 = tpu.memref_slice %arg4[%mul3A_257, %dma_start3A_268] : memref<204800x128xf32, #tpu.memory_space<hbm>> -> memref<128x128xf32, #tpu.memory_space<hbm>>
    %dma_start3A_270 = arith.constant 0 : i32
    %dma_start3A_271 = arith.constant 0 : i32
    %dma_start3A_272 = tpu.memref_slice %arg6[%dma_start3A_258, %dma_start3A_270, %dma_start3A_271] : memref<5x128x128xf32, #tpu.memory_space<vmem>> -> memref<1x128x128xf32, #tpu.memory_space<vmem>>
    %dma_start3A_273 = tpu.memref_squeeze %dma_start3A_272 : memref<1x128x128xf32, #tpu.memory_space<vmem>> -> memref<128x128xf32, #tpu.memory_space<vmem>>
    tpu.enqueue_dma source(%dma_start3A_273 : memref<128x128xf32, #tpu.memory_space<vmem>>) target(%dma_start3A_269 : memref<128x128xf32, #tpu.memory_space<hbm>>) target_semaphore(%dma_start3A_267 : memref<!tpu.dma_semaphore, #tpu.memory_space<semaphore_mem>>)
    %mul3A_274 = arith.constant 128 : i32
    %mul3A_275 = arith.muli %mul3A_2, %mul3A_274 : i32
    %dma_wait3A_276 = arith.constant 3 : i32
    %dma_wait3A_277 = arith.constant 3 : i32
    %dma_wait3A_278 = arith.constant 0 : i32
    %dma_wait3A_279 = arith.constant 0 : i32
    %dma_wait3A_280 = tpu.memref_slice %arg6[%dma_wait3A_276, %dma_wait3A_278, %dma_wait3A_279] : memref<5x128x128xf32, #tpu.memory_space<vmem>> -> memref<1x128x128xf32, #tpu.memory_space<vmem>>
    %dma_wait3A_281 = tpu.memref_squeeze %dma_wait3A_280 : memref<1x128x128xf32, #tpu.memory_space<vmem>> -> memref<128x128xf32, #tpu.memory_space<vmem>>
    %dma_wait3A_282 = arith.constant 0 : i32
    %dma_wait3A_283 = tpu.memref_slice %arg4[%mul3A_275, %dma_wait3A_282] : memref<204800x128xf32, #tpu.memory_space<hbm>> -> memref<128x128xf32, #tpu.memory_space<hbm>>
    %dma_wait3A_284 = tpu.memref_slice %arg8[%dma_wait3A_277] : memref<5x!tpu.dma_semaphore, #tpu.memory_space<semaphore_mem>> -> memref<1x!tpu.dma_semaphore, #tpu.memory_space<semaphore_mem>>
    %dma_wait3A_285 = tpu.memref_squeeze %dma_wait3A_284 : memref<1x!tpu.dma_semaphore, #tpu.memory_space<semaphore_mem>> -> memref<!tpu.dma_semaphore, #tpu.memory_space<semaphore_mem>>
    %dma_wait3A_286 = arith.constant 0 : i32
    %dma_wait3A_287 = tpu.memref_slice %arg4[%mul3A_275, %dma_wait3A_286] : memref<204800x128xf32, #tpu.memory_space<hbm>> -> memref<128x128xf32, #tpu.memory_space<hbm>>
    %dma_wait3A_288 = arith.constant 0 : i32
    %dma_wait3A_289 = arith.constant 0 : i32
    %dma_wait3A_290 = tpu.memref_slice %arg6[%dma_wait3A_276, %dma_wait3A_288, %dma_wait3A_289] : memref<5x128x128xf32, #tpu.memory_space<vmem>> -> memref<1x128x128xf32, #tpu.memory_space<vmem>>
    %dma_wait3A_291 = tpu.memref_squeeze %dma_wait3A_290 : memref<1x128x128xf32, #tpu.memory_space<vmem>> -> memref<128x128xf32, #tpu.memory_space<vmem>>
    tpu.wait_dma2 semaphore(%dma_wait3A_285 : memref<!tpu.dma_semaphore, #tpu.memory_space<semaphore_mem>>) src(%dma_wait3A_291 : memref<128x128xf32, #tpu.memory_space<vmem>>) dst(%dma_wait3A_287 : memref<128x128xf32, #tpu.memory_space<hbm>>)
    %dma_wait3A_292 = arith.constant 0 : i32
    %dma_wait3A_293 = arith.constant 4 : i32
    %dma_wait3A_294 = arith.constant 4 : i32
    %dma_wait3A_295 = arith.constant 0 : i32
    %dma_wait3A_296 = arith.constant 0 : i32
    %dma_wait3A_297 = tpu.memref_slice %arg6[%dma_wait3A_293, %dma_wait3A_295, %dma_wait3A_296] : memref<5x128x128xf32, #tpu.memory_space<vmem>> -> memref<1x128x128xf32, #tpu.memory_space<vmem>>
    %dma_wait3A_298 = tpu.memref_squeeze %dma_wait3A_297 : memref<1x128x128xf32, #tpu.memory_space<vmem>> -> memref<128x128xf32, #tpu.memory_space<vmem>>
    %dma_wait3A_299 = arith.constant 0 : i32
    %dma_wait3A_300 = tpu.memref_slice %arg5[%dma_wait3A_292, %dma_wait3A_299] : memref<50x128xi32, #tpu.memory_space<vmem>> -> memref<1x128xi32, #tpu.memory_space<vmem>>
    %dma_wait3A_301 = tpu.memref_squeeze %dma_wait3A_300 : memref<1x128xi32, #tpu.memory_space<vmem>> -> memref<128xi32, #tpu.memory_space<vmem>>
    %dma_wait3A_302 = arith.constant 0 : i32
    %dma_wait3A_303 = arith.constant 0 : i32
    %dma_wait3A_304 = tpu.memref_slice %arg2[%dma_wait3A_302, %dma_wait3A_303] : memref<100000x128xf32, #tpu.memory_space<hbm>> -> memref<100000x128xf32, #tpu.memory_space<hbm>>
    %dma_wait3A_305 = tpu.memref_slice %arg7[%dma_wait3A_294] : memref<5x!tpu.dma_semaphore, #tpu.memory_space<semaphore_mem>> -> memref<1x!tpu.dma_semaphore, #tpu.memory_space<semaphore_mem>>
    %dma_wait3A_306 = tpu.memref_squeeze %dma_wait3A_305 : memref<1x!tpu.dma_semaphore, #tpu.memory_space<semaphore_mem>> -> memref<!tpu.dma_semaphore, #tpu.memory_space<semaphore_mem>>
    tpu.wait_indirect_dma semaphore(%dma_wait3A_306 : memref<!tpu.dma_semaphore, #tpu.memory_space<semaphore_mem>>) src(%dma_wait3A_304 : memref<100000x128xf32, #tpu.memory_space<hbm>>) dst(%dma_wait3A_298 : memref<128x128xf32, #tpu.memory_space<vmem>>)
    %add3A_307 = arith.constant 49 : i32
    %add3A_308 = arith.addi %mul3A_2, %add3A_307 : i32
    %mul3A_309 = arith.constant 128 : i32
    %mul3A_310 = arith.muli %add3A_308, %mul3A_309 : i32
    %dma_start3A_311 = arith.constant 4 : i32
    %dma_start3A_312 = arith.constant 4 : i32
    %dma_start3A_313 = arith.constant 0 : i32
    %dma_start3A_314 = arith.constant 0 : i32
    %dma_start3A_315 = tpu.memref_slice %arg6[%dma_start3A_311, %dma_start3A_313, %dma_start3A_314] : memref<5x128x128xf32, #tpu.memory_space<vmem>> -> memref<1x128x128xf32, #tpu.memory_space<vmem>>
    %dma_start3A_316 = tpu.memref_squeeze %dma_start3A_315 : memref<1x128x128xf32, #tpu.memory_space<vmem>> -> memref<128x128xf32, #tpu.memory_space<vmem>>
    %dma_start3A_317 = arith.constant 0 : i32
    %dma_start3A_318 = tpu.memref_slice %arg4[%mul3A_310, %dma_start3A_317] : memref<204800x128xf32, #tpu.memory_space<hbm>> -> memref<128x128xf32, #tpu.memory_space<hbm>>
    %dma_start3A_319 = tpu.memref_slice %arg8[%dma_start3A_312] : memref<5x!tpu.dma_semaphore, #tpu.memory_space<semaphore_mem>> -> memref<1x!tpu.dma_semaphore, #tpu.memory_space<semaphore_mem>>
    %dma_start3A_320 = tpu.memref_squeeze %dma_start3A_319 : memref<1x!tpu.dma_semaphore, #tpu.memory_space<semaphore_mem>> -> memref<!tpu.dma_semaphore, #tpu.memory_space<semaphore_mem>>
    %dma_start3A_321 = arith.constant 0 : i32
    %dma_start3A_322 = tpu.memref_slice %arg4[%mul3A_310, %dma_start3A_321] : memref<204800x128xf32, #tpu.memory_space<hbm>> -> memref<128x128xf32, #tpu.memory_space<hbm>>
    %dma_start3A_323 = arith.constant 0 : i32
    %dma_start3A_324 = arith.constant 0 : i32
    %dma_start3A_325 = tpu.memref_slice %arg6[%dma_start3A_311, %dma_start3A_323, %dma_start3A_324] : memref<5x128x128xf32, #tpu.memory_space<vmem>> -> memref<1x128x128xf32, #tpu.memory_space<vmem>>
    %dma_start3A_326 = tpu.memref_squeeze %dma_start3A_325 : memref<1x128x128xf32, #tpu.memory_space<vmem>> -> memref<128x128xf32, #tpu.memory_space<vmem>>
    tpu.enqueue_dma source(%dma_start3A_326 : memref<128x128xf32, #tpu.memory_space<vmem>>) target(%dma_start3A_322 : memref<128x128xf32, #tpu.memory_space<hbm>>) target_semaphore(%dma_start3A_320 : memref<!tpu.dma_semaphore, #tpu.memory_space<semaphore_mem>>)
    %mul3A_327 = arith.constant 128 : i32
    %mul3A_328 = arith.muli %mul3A_2, %mul3A_327 : i32
    %dma_wait3A_329 = arith.constant 4 : i32
    %dma_wait3A_330 = arith.constant 4 : i32
    %dma_wait3A_331 = arith.constant 0 : i32
    %dma_wait3A_332 = arith.constant 0 : i32
    %dma_wait3A_333 = tpu.memref_slice %arg6[%dma_wait3A_329, %dma_wait3A_331, %dma_wait3A_332] : memref<5x128x128xf32, #tpu.memory_space<vmem>> -> memref<1x128x128xf32, #tpu.memory_space<vmem>>
    %dma_wait3A_334 = tpu.memref_squeeze %dma_wait3A_333 : memref<1x128x128xf32, #tpu.memory_space<vmem>> -> memref<128x128xf32, #tpu.memory_space<vmem>>
    %dma_wait3A_335 = arith.constant 0 : i32
    %dma_wait3A_336 = tpu.memref_slice %arg4[%mul3A_328, %dma_wait3A_335] : memref<204800x128xf32, #tpu.memory_space<hbm>> -> memref<128x128xf32, #tpu.memory_space<hbm>>
    %dma_wait3A_337 = tpu.memref_slice %arg8[%dma_wait3A_330] : memref<5x!tpu.dma_semaphore, #tpu.memory_space<semaphore_mem>> -> memref<1x!tpu.dma_semaphore, #tpu.memory_space<semaphore_mem>>
    %dma_wait3A_338 = tpu.memref_squeeze %dma_wait3A_337 : memref<1x!tpu.dma_semaphore, #tpu.memory_space<semaphore_mem>> -> memref<!tpu.dma_semaphore, #tpu.memory_space<semaphore_mem>>
    %dma_wait3A_339 = arith.constant 0 : i32
    %dma_wait3A_340 = tpu.memref_slice %arg4[%mul3A_328, %dma_wait3A_339] : memref<204800x128xf32, #tpu.memory_space<hbm>> -> memref<128x128xf32, #tpu.memory_space<hbm>>
    %dma_wait3A_341 = arith.constant 0 : i32
    %dma_wait3A_342 = arith.constant 0 : i32
    %dma_wait3A_343 = tpu.memref_slice %arg6[%dma_wait3A_329, %dma_wait3A_341, %dma_wait3A_342] : memref<5x128x128xf32, #tpu.memory_space<vmem>> -> memref<1x128x128xf32, #tpu.memory_space<vmem>>
    %dma_wait3A_344 = tpu.memref_squeeze %dma_wait3A_343 : memref<1x128x128xf32, #tpu.memory_space<vmem>> -> memref<128x128xf32, #tpu.memory_space<vmem>>
    tpu.wait_dma2 semaphore(%dma_wait3A_338 : memref<!tpu.dma_semaphore, #tpu.memory_space<semaphore_mem>>) src(%dma_wait3A_344 : memref<128x128xf32, #tpu.memory_space<vmem>>) dst(%dma_wait3A_340 : memref<128x128xf32, #tpu.memory_space<hbm>>)
    return
  }
}

</mosaic_0001>

<sc_bundles>
// kernel: kernel.3.cloned.1.call-start
scs
__scs_entry_jumppad:
0x0: {  	(pc) =	sbr.rel $0x88, $3  }
0x1: {  	(tag) =	ssettag $0x0;
	lr =	simm.s32 $0x1  }
0x2: {  	[smem:$0x3F9F] =	sst lr;
	_ =	strace $0xD0000000  }
0x3: {  	_ = 	snop  }
0x4: {  	_ = 	snop  }
0x5: {  	_ = 	snop  }
0x6: {  	_ = 	snop  }
0x7: {  	_ = 	snop  }
__scs_overlays_trampoline_lowered:
0x8: {  	[smem:$0x3FAE] =	sst s0  }
0x9: {  	[smem:$0x3FAF] =	sst s1  }
0xa: {  	[smem:$0x3FB0] =	sst s2  }
0xb: {  	[smem:$0x3FB1] =	sst s3  }
0xc: {  	[smem:$0x3FB2] =	sst s4  }
0xd: {  	[smem:$0x3FB3] =	sst s5  }
0xe: {  	[smem:$0x3FB4] =	sst s6  }
0xf: {  	[smem:$0x3FB5] =	sst s7  }
0x10: {  	[smem:$0x3FB6] =	sst s8  }
0x11: {  	[smem:$0x3FB7] =	sst s9;
	s0 =	simm.s32 @!p0 $0x0  }
0x12: {  	s1 =	sld [smem:$0x3F9D];
	s0 =	simm.s32 @p0 $0x1  }
0x13: {  	[smem:$0x3FB8] =	sst s0;
	s0 =	simm.s32 @!p1 $0x0  }
0x14: {  	s2 =	sld [smem:$0x3F9C];
	s0 =	simm.s32 @p1 $0x1  }
0x15: {  	[smem:$0x3FB9] =	sst s0;
	s0 =	simm.s32 @!p2 $0x0  }
0x16: {  	s3 =	sld [smem:$0x3FDB];
	s0 =	simm.s32 @p2 $0x1  }
0x17: {  	s4 =	simm.s32 $0x1BF5;
	[smem:$0x3FBB] =	sst s0  }
0x18: {  	s0 =	sld [smem:$0x3F9E];
	_ =	swait.ge [sflag:s4], $0x0  }
0x19: {  	s7 =	sld [smem:$0x3F9F]  }
0x1a: {  	s8 =	sadd.s32 $0xFFFFE003, lr  }
0x1b: {  	s9 =	sadd.s32 $0xFFFFFEF7, lr;
	s5 =	simm.s32 $0xFFFFFFFF;
	p2 =	slt.u32 s8, $0xFFFFF086  }
0x1c: {  	p1 =	slt.u32 s9, $0xF7A;
	s5 =	simm.s32 @!p2 $0x0  }
0x1d: {  	s5 =	simm.s32 @p1 $0x1;
	p0 =	seq.s32 s7, s2  }
0x1e: {  	s7 =	smul.u32 @!p0 $0xF7A, s2;
	p2 =	seq.s32 @!p0 s5, $0x0  }
0x1f: {  	s9 =	smul.u32 $0xF7A, s1;
	s8 =	simm.s32 @!p0 $0x1BF5;
	p2 =	por !p2, p0  }
0x20: {  	[sflag:s8] =	ssyncset.s32 @!p0 $0xFFFFF086;
	s6 =	sadd.s32 @!p0 s3, s7;
	s7 =	simm.s32 @!p0 $0x108  }
0x21: {  	s3 =	sadd.s32 s3, s9;
	s6 =	sadd.s32 @!p0 $0x88, s6;
	s7 =	simm.s32 @p2 $0x1082  }
0x22: {  	[simem:s7], [sflag:s8] =	dma.local @!p0 [hbm:s6], $0xF7A  }
0x23: {  	s9 =	sor.u32 $0xD0000000, s2;
	s6 =	simm.s32 $0x108;
	_ =	swait.ge @!p0 [sflag:s8], $0x0  }
0x24: {  	s3 =	sadd.s32 $0x88, s3;
	s6 =	simm.s32 @!p1 $0x1082;
	[sflag:s4] =	ssyncset.s32 $0xFFFFF086  }
0x25: {  	[simem:s6], [sflag:s4] =	dma.local [hbm:s3], $0xF7A  }
0x26: {  	[smem:$0x3F9F] =	sst s1;
	(tag) =	ssettag s2;
	_ =	strace s9  }
0x27: {  	s1 =	sld [smem:$0x3FAF]  }
0x28: {  	s2 =	sld [smem:$0x3FB0]  }
0x29: {  	s4 =	sld [smem:$0x3FB2]  }
0x2a: {  	p0 =	seq.s32 s5, $0x0;
	s5 =	sld [smem:$0x3FB3]  }
0x2b: {  	s6 =	sld [smem:$0x3FB4]  }
0x2c: {  	s7 =	sld [smem:$0x3FB5]  }
0x2d: {  	s3 =	simm.s32 $0x108;
	s8 =	sld [smem:$0x3FB6]  }
0x2e: {  	s3 =	simm.s32 @!p0 $0x1082;
	s9 =	sld [smem:$0x3FB7]  }
0x2f: {  	lr =	sadd.s32 s0, s3;
	s0 =	sld [smem:$0x3FAE]  }
0x30: {  	s3 =	sld [smem:$0x3FB1]  }
0x31: {  	[smem:$0x3FBA] =	sst s10  }
0x32: {  	s10 =	sld [smem:$0x3FB8];
	_ =	sdelay $0x3  }
0x33: {  	p0 =	seq.s32 s10, $0x1;
	s10 =	sld [smem:$0x3FBA];
	_ =	sdelay $0x3  }
0x34: {  	[smem:$0x3FBA] =	sst s10  }
0x35: {  	s10 =	sld [smem:$0x3FB9];
	_ =	sdelay $0x3  }
0x36: {  	p1 =	seq.s32 s10, $0x1;
	s10 =	sld [smem:$0x3FBA];
	_ =	sdelay $0x3  }
0x37: {  	[smem:$0x3FBA] =	sst s10  }
0x38: {  	s10 =	sld [smem:$0x3FBB]  }
0x39: {  	_ = 	snop;
	(pc) =	sbr.ind lr, $3  }
0x3a: {  	_ = 	snop  }
0x3b: {  	_ = 	snop  }
0x3c: {  	p2 =	seq.s32 s10, $0x1;
	s10 =	sld [smem:$0x3FBA]  }
0x3d: {  	_ =	shalt  }
0x3e: {  	_ =	shalt  }
0x3f: {  	_ =	shalt  }
0x40: {  	_ =	shalt  }
0x41: {  	_ =	shalt  }
0x42: {  	_ =	shalt  }
0x43: {  	_ =	shalt  }
0x44: {  	_ =	shalt  }
0x45: {  	_ =	shalt  }
0x46: {  	_ =	shalt  }
0x47: {  	_ =	shalt  }
0x48: {  	_ =	shalt  }
0x49: {  	_ =	shalt  }
0x4a: {  	_ =	shalt  }
0x4b: {  	_ =	shalt  }
0x4c: {  	_ =	shalt  }
0x4d: {  	_ =	shalt  }
0x4e: {  	_ =	shalt  }
0x4f: {  	_ =	shalt  }
0x50: {  	_ =	shalt  }
0x51: {  	_ =	shalt  }
0x52: {  	_ =	shalt  }
0x53: {  	_ =	shalt  }
0x54: {  	_ =	shalt  }
0x55: {  	_ =	shalt  }
0x56: {  	_ =	shalt  }
0x57: {  	_ =	shalt  }
0x58: {  	_ =	shalt  }
0x59: {  	_ =	shalt  }
0x5a: {  	_ =	shalt  }
0x5b: {  	_ =	shalt  }
0x5c: {  	_ =	shalt  }
0x5d: {  	_ =	shalt  }
0x5e: {  	_ =	shalt  }
0x5f: {  	_ =	shalt  }
0x60: {  	_ =	shalt  }
0x61: {  	_ =	shalt  }
0x62: {  	_ =	shalt  }
0x63: {  	_ =	shalt  }
0x64: {  	_ =	shalt  }
0x65: {  	_ =	shalt  }
0x66: {  	_ =	shalt  }
0x67: {  	_ =	shalt  }
0x68: {  	_ =	shalt  }
0x69: {  	_ =	shalt  }
0x6a: {  	_ =	shalt  }
0x6b: {  	_ =	shalt  }
0x6c: {  	_ =	shalt  }
0x6d: {  	_ =	shalt  }
0x6e: {  	_ =	shalt  }
0x6f: {  	_ =	shalt  }
0x70: {  	_ =	shalt  }
0x71: {  	_ =	shalt  }
0x72: {  	_ =	shalt  }
0x73: {  	_ =	shalt  }
0x74: {  	_ =	shalt  }
0x75: {  	_ =	shalt  }
0x76: {  	_ =	shalt  }
0x77: {  	_ =	shalt  }
0x78: {  	_ =	shalt  }
0x79: {  	_ =	shalt  }
0x7a: {  	_ =	shalt  }
0x7b: {  	_ =	shalt  }
0x7c: {  	_ =	shalt  }
0x7d: {  	_ =	shalt  }
0x7e: {  	_ =	shalt  }
0x7f: {  	_ =	shalt  }
0x80: {  	_ =	shalt  }
0x81: {  	_ =	shalt  }
0x82: {  	_ =	shalt  }
0x83: {  	_ =	shalt  }
0x84: {  	_ =	shalt  }
0x85: {  	_ =	shalt  }
0x86: {  	_ =	shalt  }
0x87: {  	_ =	shalt  }
.Lfunc_end0:
.L_simem_size_0:
called_computation_lowered:
.L_overlay_start_0:
0x88: {  	s2 =	sld [smem:$0x3FD9]  }
0x89: {  	s3 =	sld [smem:$0x3FFE];
	_ =	sdelay $0x1  }
0x8a: {  	s1 =	srdreg.scid  }
0x8b: {  	s0 =	sand.u32 $0x1, s1  }
0x8c: {  	s17 =	sshll.u32 s0, $0xA;
	s2 =	sadd.s32 s3, s2  }
0x8d: {  	s2 =	sadd.s32 s2, s17  }
0x8e: {  	[smem:$0x3FC6] =	sst s2  }
0x8f: {  	_ = 	snop  }
0x90: {  	s2 =	sld [smem:$0x3FC8]  }
0x91: {  	s18 =	sld [smem:$0x3FD0];
	(tm) =	ssettm $0x1  }
0x92: {  	s4 =	sld [smem:$0x3FFB];
	_ =	sdelay $0x3  }
0x93: {  	_ =	strace s4  }
0x94: {  	s4 =	sld [smem:$0x3FFC];
	_ =	sdelay $0x3  }
0x95: {  	_ =	strace s4  }
0x96: {  	s4 =	sld [smem:$0x3FFD];
	_ =	sdelay $0x3  }
0x97: {  	_ =	strace s4  }
0x98: {  	_ =	strace $0x8FFFFFFF  }
0x99: {  	s19 =	sld [smem:$0x3FDB];
	_ =	sdelay $0x1  }
0x9a: {  	s5 =	simm.s32 $_scs_section_size  }
0x9b: {  	s6 =	simm.s32 $_size__tile_overlayer_lowered;
	s7 =	simm.s32 $_tile_overlayer_lowered  }
0x9c: {  	s22 =	simm.s32 $0x1BFF;
	s21 =	sshll.u32 s7, $0x1;
	s4 =	sadd.s32 s5, s19  }
0x9d: {  	s8 =	simm.s32 $0x0;
	s20 =	sshll.u32 s6, $0x1;
	s6 =	sadd.s32 s21, s4  }
0x9e: {  	[timem:s8], [sflag:s22] =	dma.local [hbm:s6], s20  }
0x9f: {  	_ =	swait.ge [sflag:s22], s20  }
0xa0: {  	s5 =	ssub.s32 $0x0, s20;
	[sflag:s22] =	ssyncset.done $0x0  }
0xa1: {  	[sflag:s22] =	ssyncadd.s32 s5;
	_ =	sdelay $0x1  }
0xa2: {  	s23 =	simm.s32 $0x1B8B  }
0xa3: {  	_ =	swait.ge [sflag:s23], $0x1  }
0xa4: {  	[sflag:s23] =	ssyncset.done $0x0  }
0xa5: {  	s25 =	simm.s32 $0x1B8E;
	s24 =	sld [smem:$0x3FFE];
	[sflag:s23] =	ssyncadd.s32 $0xFFFFFFFF  }
0xa6: {  	s26 =	simm.s32 $execute0_lowered;
	[smem:$0x3FD2] =	sst s25  }
0xa7: {  	s6 =	sshll.u32 s26, $0x1;
	_ =	strace $0x80000046;
	[dreg:$0x1] =	wrdreg $0xFFFFFFFF  }
0xa8: {  	s28 =	simm.s32 $_size_execute0_lowered;
	s4 =	sadd.s32 s4, s6;
	[dreg:$0x0] =	wrdreg $0x0  }
0xa9: {  	s6 =	sshll.u32 s28, $0x1;
	[dreg:$0x2] =	wrdreg s4  }
0xaa: {  	[dreg:$0x3] =	wrdreg s6  }
0xab: {  	[dreg:$0x4] =	wrdreg $0xC0  }
0xac: {  	_ =	task [dreg:s8], $0x5FFFF  }
0xad: {  	[dreg:$0x1] =	wrdreg $0xFFFFFFFF  }
0xae: {  	[dreg:$0x0] =	wrdreg $0x60  }
0xaf: {  	[dreg:$0x2] =	wrdreg s2  }
0xb0: {  	[dreg:$0x3] =	wrdreg s24  }
0xb1: {  	[dreg:$0x4] =	wrdreg s18  }
0xb2: {  	[dreg:$0x5] =	wrdreg $0x9  }
0xb3: {  	_ =	task.clear_ibuf [dreg:s8], $0x6FFFF;
	_ =	strace $0x90000046  }
0xb4: {  	s29 =	simm.s32 $0x9;
	_ =	strace $0x80000048  }
0xb5: {  	_ =	swait.ge [sflag:s29], $0x1  }
0xb6: {  	[sflag:s29] =	ssyncadd.s32 $0xFFFFFFFF  }
0xb7: {  	_ =	strace $0x90000048  }
0xb8: {  	_ =	sfence  }
0xb9: {  	s30 =	sld [smem:$0x0];
	_ =	sdelay $0x2  }
0xba: {  	s31 =	sshll.u32 s1, $0xD;
	s1 =	sshrl.u32 s1, $0x2  }
0xbb: {  	s3 =	sand.u32 $0x4000, s31;
	s1 =	sadd.s32 s1, s30  }
0xbc: {  	s0 =	sor.u32 s3, s0;
	s1 =	sshll.u32 s1, $0x11  }
0xbd: {  	s0 =	sor.u32 s1, s0  }
0xbe: {  	s0 =	sadd.s32 $0x8F2B, s0  }
0xbf: {  	[sflag:s0] =	ssyncadd.remote.s32 $0x1  }
0xc0: {  	_ =	sfence.sel $0xFFFF  }
0xc1: {  	[dreg:$0x0] =	wrdreg $0xFFFFFFFF;
	(pc) =	sbr.abs _section_cstart, $3  }
0xc2: {  	[dreg:$0x1] =	wrdreg $0xFFFFFFFF  }
0xc3: {  	_ =	task.clear_ibuf [dreg:s8], $0x2FFFF;
	_ =	strace $0x9FFFFFFF  }
0xc4: {  	(tm) =	ssettm $0x7FFFFFFF  }
0xc5: {  	_ =	shalt  }
tec
execute0_lowered:
.L_overlay_start_1:
0x0: {  	(tag) =	ssettag $0x1  }
0x1: {  	s1 =	rddreg [dreg:$0x0]  }
0x2: {  	s0 =	srdreg.scid;
	s2 =	rddreg [dreg:$0x1]  }
0x3: {  	s10 =	stileid.u32;
	s4 =	rddreg [dreg:$0x2];
	s15 =	simm.s32 $0xB  }
0x4: {  	s16 =	simm.s32 $0x80;
	s17 =	simm.s32 $0x1C00;
	s18 =	simm.s32 $0x5C00  }
0x5: {  	s28 =	simm.s32 $0x2;
	s29 =	simm.s32 $0x7;
	s7 =	smul.u32 $0x64, s10  }
0x6: {  	s0 =	sand.u32 $0x1, s0;
	s3 =	sshll.u32 s10, $0x1;
	s25 =	smul.u32 $0x32000, s10  }
0x7: {  	s30 =	simm.s32 $0x3;
	s5 =	sor.u32 s0, s3;
	s9 =	smul.u32 $0x32, s0  }
0x8: {  	s31 =	simm.s32 $0x8;
	s3 =	simm.s32 $0x0;
	s6 =	smul.u32 $0x380, s5  }
0x9: {  	s19 =	ssub.s32 $0x2, s0;
	[smem:$0x7FF] =	sst s3;
	s5 =	smul.u32 $0xC8000, s5  }
0xa: {  	s8 =	sshrl.u32 s19, $0x1;
	_ =	strace $0x80000047;
	s2 =	sadd.s32 s6, s2  }
0xb: {  	s5 =	sshrl.u32 s5, $0x3;
	s6 =	ssub.s32 s19, s8;
	s2 =	sadd.s32 $0x400, s2  }
0xc: {  	s5 =	sadd.s32 s4, s5;
	s26 =	smax.u32 s6, $0x1;
	[dreg:$0x4] =	wrdreg s2  }
0xd: {  	s0 =	smul.u32 $0x19000, s0;
	s20 =	sadd.s32 $0x16800, s5;
	[dreg:$0xa] =	wrdreg s26  }
0xe: {  	s23 =	sadd.s32 s9, s7;
	s21 =	sadd.s32 $0x17000, s5;
	[dreg:$0x5] =	wrdreg s20  }
0xf: {  	s19 =	simm.s32 $0x5;
	s22 =	sadd.s32 $0x17800, s5;
	[dreg:$0x6] =	wrdreg s21  }
0x10: {  	s24 =	sadd.s32 $0x18000, s5;
	s2 =	sshll.u32 s23, $0xB;
	[dreg:$0x7] =	wrdreg s22  }
0x11: {  	s5 =	sadd.s32 $0x18800, s5;
	s26 =	simm.s32 $0x6;
	[dreg:$0x8] =	wrdreg s24  }
0x12: {  	s23 =	simm.s32 $0x0;
	[dreg:$0x9] =	wrdreg s5;
	s2 =	sadd.s32 s2, s4  }
0x13: {  	s4 =	sadd.s32 s25, s4;
	s20 =	simm.s32 $0x9C00;
	s22 =	simm.s32 $0xDC00  }
0x14: {  	s24 =	simm.s32 $0x11C00;
	s25 =	simm.s32 $0x1;
	s21 =	simm.s32 $0xA  }
0x15: {  	s11 =	sadd.s32 $0x2000, s2;
	s12 =	sadd.s32 $0x1800, s2;
	s13 =	sadd.s32 $0x800, s2  }
0x16: {  	s14 =	sadd.s32 s0, s4;
	s2 =	simm.s32 $0x4;
	s0 =	simm.s32 $0x9  }
.LBB2_1:
0x17: {  	s4 =	rddreg [dreg:$0x4]  }
0x18: {  	[tilespmem:s3], [sflag:$0xB] =	stream.linear.gather [hbm4b:s4+s3], $0x1900, $0x38;
	[tilespmem:$0x15C00] =	vst v63  }
0x19: {  	_ =	swait.ge [sflag:s15], $0x1900  }
0x1a: {  	[sflag:s15] =	ssyncset.done $0x0  }
0x1b: {  	[sflag:s15] =	ssyncadd.s32 $0xFFFFE700  }
0x1c: {  	[tilespmem:s17], [sflag:$0x1] =	stream.indirect.gather [hbm4b:s1+s16], $0x80, s3, s16, $0xb8;
	[tilespmem:$0x15C00] =	vst v63  }
0x1d: {  	_ = 	snop  }
0x1e: {  	[tilespmem:s18], [sflag:$0x2] =	stream.indirect.gather [hbm4b:s1+s16], $0x80, s16, s16, $0xb8;
	[tilespmem:$0x15C00] =	vst v63  }
0x1f: {  	s9 =	simm.s32 $0x100  }
0x20: {  	[tilespmem:s20], [sflag:$0x3] =	stream.indirect.gather [hbm4b:s1+s16], $0x80, s9, s16, $0xb8;
	[tilespmem:$0x15C00] =	vst v63  }
0x21: {  	s10 =	simm.s32 $0x180  }
0x22: {  	[tilespmem:s22], [sflag:$0x4] =	stream.indirect.gather [hbm4b:s1+s16], $0x80, s10, s16, $0xb8;
	[tilespmem:$0x15C00] =	vst v63  }
0x23: {  	s5 =	simm.s32 $0x200  }
0x24: {  	[tilespmem:s24], [sflag:$0x5] =	stream.indirect.gather [hbm4b:s1+s16], $0x80, s5, s16, $0xb8;
	[tilespmem:$0x15C00] =	vst v63  }
0x25: {  	_ =	swait.ge [sflag:s25], $0x4000  }
0x26: {  	[sflag:s25] =	ssyncset.done $0x0  }
0x27: {  	[sflag:s25] =	ssyncadd.s32 $0xFFFFC000  }
0x28: {  	[hbm4b:s14+s3] =	stream.linear.scatter [tilespmem:s17], [sflag:$0x6], $0x4000, $0x38;
	[tilespmem:$0x15C00] =	vst v63  }
0x29: {  	_ =	swait.ge [sflag:s26], $0x4000  }
0x2a: {  	[sflag:s26] =	ssyncset.done $0x0  }
0x2b: {  	s6 =	simm.s32 $0x280;
	[sflag:s26] =	ssyncadd.s32 $0xFFFFC000  }
0x2c: {  	[tilespmem:s17], [sflag:$0x1] =	stream.indirect.gather [hbm4b:s1+s16], $0x80, s6, s16, $0xb8;
	[tilespmem:$0x15C00] =	vst v63  }
0x2d: {  	_ =	swait.ge [sflag:s28], $0x4000  }
0x2e: {  	[sflag:s28] =	ssyncset.done $0x0  }
0x2f: {  	[sflag:s28] =	ssyncadd.s32 $0xFFFFC000  }
0x30: {  	[hbm4b:s13+s3] =	stream.linear.scatter [tilespmem:s18], [sflag:$0x7], $0x4000, $0x38;
	[tilespmem:$0x15C00] =	vst v63  }
0x31: {  	_ =	swait.ge [sflag:s29], $0x4000  }
0x32: {  	[sflag:s29] =	ssyncset.done $0x0  }
0x33: {  	s7 =	simm.s32 $0x300;
	[sflag:s29] =	ssyncadd.s32 $0xFFFFC000  }
0x34: {  	[tilespmem:s18], [sflag:$0x2] =	stream.indirect.gather [hbm4b:s1+s16], $0x80, s7, s16, $0xb8;
	[tilespmem:$0x15C00] =	vst v63  }
0x35: {  	_ =	swait.ge [sflag:s30], $0x4000  }
0x36: {  	[sflag:s30] =	ssyncset.done $0x0  }
0x37: {  	s8 =	sadd.s32 $0xFFFFF800, s12;
	[sflag:s30] =	ssyncadd.s32 $0xFFFFC000  }
0x38: {  	[hbm4b:s8+s3] =	stream.linear.scatter [tilespmem:s20], [sflag:$0x8], $0x4000, $0x38;
	[tilespmem:$0x15C00] =	vst v63  }
0x39: {  	_ =	swait.ge [sflag:s31], $0x4000  }
0x3a: {  	[sflag:s31] =	ssyncset.done $0x0  }
0x3b: {  	s9 =	simm.s32 $0x380;
	[sflag:s31] =	ssyncadd.s32 $0xFFFFC000  }
0x3c: {  	[tilespmem:s20], [sflag:$0x3] =	stream.indirect.gather [hbm4b:s1+s16], $0x80, s9, s16, $0xb8;
	[tilespmem:$0x15C00] =	vst v63  }
0x3d: {  	_ =	swait.ge [sflag:s2], $0x4000  }
0x3e: {  	[sflag:s2] =	ssyncset.done $0x0  }
0x3f: {  	[sflag:s2] =	ssyncadd.s32 $0xFFFFC000  }
0x40: {  	[hbm4b:s12+s3] =	stream.linear.scatter [tilespmem:s22], [sflag:$0x9], $0x4000, $0x38;
	[tilespmem:$0x15C00] =	vst v63  }
0x41: {  	_ =	swait.ge [sflag:s0], $0x4000  }
0x42: {  	[sflag:s0] =	ssyncset.done $0x0  }
0x43: {  	s10 =	simm.s32 $0x400;
	[sflag:s0] =	ssyncadd.s32 $0xFFFFC000  }
0x44: {  	[tilespmem:s22], [sflag:$0x4] =	stream.indirect.gather [hbm4b:s1+s16], $0x80, s10, s16, $0xb8;
	[tilespmem:$0x15C00] =	vst v63  }
0x45: {  	_ =	swait.ge [sflag:s19], $0x4000  }
0x46: {  	[sflag:s19] =	ssyncset.done $0x0  }
0x47: {  	[sflag:s19] =	ssyncadd.s32 $0xFFFFC000  }
0x48: {  	[hbm4b:s11+s3] =	stream.linear.scatter [tilespmem:s24], [sflag:$0xA], $0x4000, $0x38;
	[tilespmem:$0x15C00] =	vst v63  }
0x49: {  	s4 =	simm.s32 $0xA00;
	s5 =	sadd.s32 $0x2800, s14;
	_ =	swait.ge [sflag:s21], $0x4000  }
0x4a: {  	s6 =	sadd.s32 $0x2800, s12;
	s7 =	sadd.s32 $0x2800, s13;
	[sflag:s21] =	ssyncset.done $0x0  }
0x4b: {  	s8 =	sadd.s32 $0x2800, s11;
	s9 =	simm.s32 $0x480;
	[sflag:s21] =	ssyncadd.s32 $0xFFFFC000  }
.LBB2_2:
0x4c: {  	[tilespmem:s24], [sflag:$0x5] =	stream.indirect.gather [hbm4b:s1+s16], $0x80, s9, s16, $0xb8;
	[tilespmem:$0x15C00] =	vst v63  }
0x4d: {  	s9 =	smov.u32 s4  }
0x4e: {  	p0 =	sne.s32 s4, $0x5000;
	s4 =	sadd.s32 $0xA00, s4;
	_ =	swait.ge [sflag:s25], $0x4000  }
0x4f: {  	[sflag:s25] =	ssyncset.done $0x0  }
0x50: {  	[sflag:s25] =	ssyncadd.s32 $0xFFFFC000  }
0x51: {  	[hbm4b:s5+s3] =	stream.linear.scatter [tilespmem:s17], [sflag:$0x6], $0x4000, $0x38;
	[tilespmem:$0x15C00] =	vst v63  }
0x52: {  	_ =	swait.ge [sflag:s26], $0x4000  }
0x53: {  	s9 =	sshra.s32 s9, $0x2;
	[sflag:s26] =	ssyncset.done $0x0  }
0x54: {  	s10 =	sadd.s32 $0x280, s9;
	[sflag:s26] =	ssyncadd.s32 $0xFFFFC000  }
0x55: {  	[tilespmem:s17], [sflag:$0x1] =	stream.indirect.gather [hbm4b:s1+s16], $0x80, s10, s16, $0xb8;
	[tilespmem:$0x15C00] =	vst v63  }
0x56: {  	_ =	swait.ge [sflag:s28], $0x4000  }
0x57: {  	[sflag:s28] =	ssyncset.done $0x0  }
0x58: {  	[sflag:s28] =	ssyncadd.s32 $0xFFFFC000  }
0x59: {  	[hbm4b:s7+s3] =	stream.linear.scatter [tilespmem:s18], [sflag:$0x7], $0x4000, $0x38;
	[tilespmem:$0x15C00] =	vst v63  }
0x5a: {  	_ =	swait.ge [sflag:s29], $0x4000  }
0x5b: {  	[sflag:s29] =	ssyncset.done $0x0  }
0x5c: {  	s10 =	sadd.s32 $0x300, s9;
	[sflag:s29] =	ssyncadd.s32 $0xFFFFC000  }
0x5d: {  	[tilespmem:s18], [sflag:$0x2] =	stream.indirect.gather [hbm4b:s1+s16], $0x80, s10, s16, $0xb8;
	[tilespmem:$0x15C00] =	vst v63  }
0x5e: {  	_ =	swait.ge [sflag:s30], $0x4000  }
0x5f: {  	[sflag:s30] =	ssyncset.done $0x0  }
0x60: {  	s10 =	sadd.s32 $0xFFFFF800, s6;
	[sflag:s30] =	ssyncadd.s32 $0xFFFFC000  }
0x61: {  	[hbm4b:s10+s3] =	stream.linear.scatter [tilespmem:s20], [sflag:$0x8], $0x4000, $0x38;
	[tilespmem:$0x15C00] =	vst v63  }
0x62: {  	_ =	swait.ge [sflag:s31], $0x4000  }
0x63: {  	[sflag:s31] =	ssyncset.done $0x0  }
0x64: {  	s10 =	sadd.s32 $0x380, s9;
	[sflag:s31] =	ssyncadd.s32 $0xFFFFC000  }
0x65: {  	[tilespmem:s20], [sflag:$0x3] =	stream.indirect.gather [hbm4b:s1+s16], $0x80, s10, s16, $0xb8;
	[tilespmem:$0x15C00] =	vst v63  }
0x66: {  	_ =	swait.ge [sflag:s2], $0x4000  }
0x67: {  	[sflag:s2] =	ssyncset.done $0x0  }
0x68: {  	[sflag:s2] =	ssyncadd.s32 $0xFFFFC000  }
0x69: {  	[hbm4b:s6+s3] =	stream.linear.scatter [tilespmem:s22], [sflag:$0x9], $0x4000, $0x38;
	[tilespmem:$0x15C00] =	vst v63  }
0x6a: {  	_ =	swait.ge [sflag:s0], $0x4000  }
0x6b: {  	[sflag:s0] =	ssyncset.done $0x0  }
0x6c: {  	s10 =	sadd.s32 $0x400, s9;
	[sflag:s0] =	ssyncadd.s32 $0xFFFFC000  }
0x6d: {  	[tilespmem:s22], [sflag:$0x4] =	stream.indirect.gather [hbm4b:s1+s16], $0x80, s10, s16, $0xb8;
	[tilespmem:$0x15C00] =	vst v63  }
0x6e: {  	_ =	swait.ge [sflag:s19], $0x4000  }
0x6f: {  	[sflag:s19] =	ssyncset.done $0x0  }
.Ltmp0:
0x70: {  	[sflag:s19] =	ssyncadd.s32 $0xFFFFC000;
	(pc) =	sbr.rel @p0 .LBB2_2-.Ltmp0, $4  }
0x71: {  	[hbm4b:s8+s3] =	stream.linear.scatter [tilespmem:s24], [sflag:$0xA], $0x4000, $0x38;
	[tilespmem:$0x15C00] =	vst v63  }
0x72: {  	s5 =	sadd.s32 $0x2800, s5;
	_ =	swait.ge [sflag:s21], $0x4000  }
0x73: {  	s7 =	sadd.s32 $0x2800, s7;
	s6 =	sadd.s32 $0x2800, s6;
	[sflag:s21] =	ssyncset.done $0x0  }
0x74: {  	s9 =	sadd.s32 $0x480, s9;
	s8 =	sadd.s32 $0x2800, s8;
	[sflag:s21] =	ssyncadd.s32 $0xFFFFC000  }
0x75: {  	[tilespmem:s24], [sflag:$0x5] =	stream.indirect.gather [hbm4b:s1+s16], $0x80, s9, s16, $0xb8;
	[tilespmem:$0x15C00] =	vst v63  }
0x76: {  	_ =	swait.ge [sflag:s25], $0x4000  }
0x77: {  	[sflag:s25] =	ssyncset.done $0x0  }
0x78: {  	s4 =	rddreg [dreg:$0x5];
	[sflag:s25] =	ssyncadd.s32 $0xFFFFC000  }
0x79: {  	[hbm4b:s4+s3] =	stream.linear.scatter [tilespmem:s17], [sflag:$0x6], $0x4000, $0x38;
	[tilespmem:$0x15C00] =	vst v63  }
0x7a: {  	_ =	swait.ge [sflag:s26], $0x4000  }
0x7b: {  	[sflag:s26] =	ssyncset.done $0x0  }
0x7c: {  	[sflag:s26] =	ssyncadd.s32 $0xFFFFC000  }
0x7d: {  	_ =	swait.ge [sflag:s28], $0x4000  }
0x7e: {  	[sflag:s28] =	ssyncset.done $0x0  }
0x7f: {  	s6 =	rddreg [dreg:$0x6];
	[sflag:s28] =	ssyncadd.s32 $0xFFFFC000  }
0x80: {  	[hbm4b:s6+s3] =	stream.linear.scatter [tilespmem:s18], [sflag:$0x7], $0x4000, $0x38;
	[tilespmem:$0x15C00] =	vst v63  }
0x81: {  	_ =	swait.ge [sflag:s29], $0x4000  }
0x82: {  	[sflag:s29] =	ssyncset.done $0x0  }
0x83: {  	[sflag:s29] =	ssyncadd.s32 $0xFFFFC000  }
0x84: {  	_ =	swait.ge [sflag:s30], $0x4000  }
0x85: {  	[sflag:s30] =	ssyncset.done $0x0  }
0x86: {  	s7 =	rddreg [dreg:$0x7];
	[sflag:s30] =	ssyncadd.s32 $0xFFFFC000  }
0x87: {  	[hbm4b:s7+s3] =	stream.linear.scatter [tilespmem:s20], [sflag:$0x8], $0x4000, $0x38;
	[tilespmem:$0x15C00] =	vst v63  }
0x88: {  	_ =	swait.ge [sflag:s31], $0x4000  }
0x89: {  	[sflag:s31] =	ssyncset.done $0x0  }
0x8a: {  	[sflag:s31] =	ssyncadd.s32 $0xFFFFC000  }
0x8b: {  	_ =	swait.ge [sflag:s2], $0x4000  }
0x8c: {  	[sflag:s2] =	ssyncset.done $0x0  }
0x8d: {  	s8 =	rddreg [dreg:$0x8];
	[sflag:s2] =	ssyncadd.s32 $0xFFFFC000  }
0x8e: {  	[hbm4b:s8+s3] =	stream.linear.scatter [tilespmem:s22], [sflag:$0x9], $0x4000, $0x38;
	[tilespmem:$0x15C00] =	vst v63  }
0x8f: {  	_ =	swait.ge [sflag:s0], $0x4000  }
0x90: {  	[sflag:s0] =	ssyncset.done $0x0  }
0x91: {  	[sflag:s0] =	ssyncadd.s32 $0xFFFFC000  }
0x92: {  	_ =	swait.ge [sflag:s19], $0x4000  }
0x93: {  	[sflag:s19] =	ssyncset.done $0x0  }
0x94: {  	s9 =	rddreg [dreg:$0x9];
	[sflag:s19] =	ssyncadd.s32 $0xFFFFC000  }
0x95: {  	[hbm4b:s9+s3] =	stream.linear.scatter [tilespmem:s24], [sflag:$0xA], $0x4000, $0x38;
	[tilespmem:$0x15C00] =	vst v63  }
0x96: {  	_ =	swait.ge [sflag:s21], $0x4000  }
0x97: {  	s23 =	sadd.s32 $0x1, s23;
	s10 =	rddreg [dreg:$0xa]  }
0x98: {  	p0 =	sne.s32 s23, s10  }
.Ltmp1:
0x99: {  	_ = 	snop;
	(pc) =	sbr.rel @p0 .LBB2_1-.Ltmp1, $3  }
0x9a: {  	_ =	sdelay $0x1  }
0x9b: {  	[sflag:s21] =	ssyncset.done $0x0  }
0x9c: {  	[sflag:s21] =	ssyncadd.s32 $0xFFFFC000  }
0x9d: {  	_ =	sfence.sel $0x180000  }
0x9e: {  	[bflag:$0x0] =	sbarrier.arrive $0xFFFF  }
0x9f: {  	_ =	strace $0x90000047  }
0xa0: {  	s0 =	stileid.u32;
	[bflag:$0x2] =	sbarrier.arrive $0xFFFF  }
0xa1: {  	p0 =	sne.s32 s0, $0x0;
	s0 =	rddreg [dreg:$0x3]  }
0xa2: {  	s0 =	sadd.s32 @!p0 $0x100000, s0  }
0xa3: {  	[sflag:s0] =	ssyncadd.tile.s32 @!p0 $0x1;
	_ =	shalt  }
.Lfunc_end2:
_tile_overlayer_lowered:
.L_overlay_start_2:
0xa4: {  	(tag) =	ssettag $0x2  }
0xa5: {  	s0 =	rddreg [dreg:$0x0];
	s2 =	stileid.u32  }
0xa6: {  	s1 =	rddreg [dreg:$0x1];
	p0 =	sne.s32 s2, $0x0  }
0xa7: {  	s3 =	rddreg [dreg:$0x2];
	[bflag:$0x3] =	sbarrier.arrive $0xFFFF;
	s2 =	simm.s32 @!p0 $0x1C0B  }
0xa8: {  	[timem:s3], [sflag:s2] =	dma.local @!p0 [hbm:s0], s1  }
0xa9: {  	s0 =	simm.s32 @!p0 $0xB  }
0xaa: {  	_ =	swait.ge @!p0 [sflag:s0], s1  }
0xab: {  	s1 =	ssub.s32 @!p0 $0x0, s1;
	[sflag:s0] =	ssyncset.done @!p0 $0x0  }
0xac: {  	[sflag:s0] =	ssyncadd.s32 @!p0 s1  }
0xad: {  	[bflag:$0x3] =	sbarrier.arrive $0xFFFF  }
0xae: {  	_ =	shalt  }

</sc_bundles>
